<compile_context>
chip_gen: v7x
topology: tpu7x:2x2x1
jax: 0.10.2.dev20260603
libtpu: 0.0.44.dev20260713+nightly
codegen_flags: <defaults>
</compile_context>

<pallas_src>
import functools

import jax
import jax.numpy as jnp
from jax import lax
from jax.experimental import pallas as pl
from jax.experimental.pallas import tpu as pltpu
from jax.experimental.pallas import tpu_sc as plsc

NC = 2
NS = 16
L = 16
NW = NC * NS
U = 5


def _make_kernel(n_atoms, n_pairs, chunk):
  n_chunks_total = n_pairs // chunk
  k_steps = -(-n_chunks_total // NW)
  k_steps += k_steps % 2
  slc = (n_atoms // NS) // (L * U) * (L * U)
  tail = n_atoms - NS * slc
  assert n_pairs % chunk == 0 and chunk % (L * U) == 0 and chunk % 128 == 0
  assert slc % 8 == 0 and tail % (L * U) == 0

  mesh = plsc.VectorSubcoreMesh(
      core_axis_name="c", subcore_axis_name="s",
      num_cores=NC, num_subcores=NS)

  @functools.partial(
      pl.kernel,
      out_type=jax.ShapeDtypeStruct((n_pairs,), jnp.float32),
      mesh=mesh,
      compiler_params=pltpu.CompilerParams(needs_layout_passes=False),
      scratch_types=[
          pltpu.VMEM((n_atoms,), jnp.float32),
          pltpu.VMEM_SHARED((n_atoms,), jnp.float32),
          pltpu.VMEM_SHARED((NS * L,), jnp.float32),
          pltpu.VMEM((L,), jnp.float32),
          pltpu.VMEM((chunk,), jnp.int32),
          pltpu.VMEM((chunk,), jnp.int32),
          pltpu.VMEM((chunk,), jnp.int32),
          pltpu.VMEM((chunk,), jnp.int32),
          pltpu.VMEM((chunk,), jnp.float32),
          pltpu.VMEM((chunk,), jnp.float32),
          pltpu.SemaphoreType.DMA((2,)),
          pltpu.SemaphoreType.DMA((2,)),
      ],
  )
  def k(elem_hbm, nbr_hbm, base_hbm, out_hbm,
        table_v, shared_q, shared_part, base_v,
        idx_i0, idx_i1, idx_j0, idx_j1, out0, out1,
        sem_in, sem_out):
    wid = lax.axis_index("s") * NC + lax.axis_index("c")
    sid = lax.axis_index("s")
    idx_i_b = (idx_i0, idx_i1)
    idx_j_b = (idx_j0, idx_j1)
    out_b = (out0, out1)

    pltpu.sync_copy(base_hbm, base_v)
    my_off = pl.multiple_of(sid * slc, 8)

    def convert(n):
      def body(i, acc):
        base_off = i * (L * U)
        sls = [pl.ds(base_off + u * L, L) for u in range(U)]
        es = [idx_i0[sl] for sl in sls]
        cs = [plsc.load_gather(base_v, [e]) for e in es]
        for sl, c in zip(sls, cs):
          out0[sl] = c
        return acc + sum(cs[1:], cs[0])
      return lax.fori_loop(0, n // (L * U), body,
                           jnp.zeros((L,), jnp.float32))

    pieces = []
    done = 0
    while done < slc:
      n = min(chunk, slc - done)
      pieces.append((done, n))
      done += n
    acc = jnp.zeros((L,), jnp.float32)
    for lo, n in pieces:
      pltpu.sync_copy(elem_hbm.at[pl.ds(my_off + lo, n)],
                      idx_i0.at[pl.ds(0, n)])
      acc = acc + convert(n)
      pltpu.sync_copy(out0.at[pl.ds(0, n)],
                      shared_q.at[pl.ds(my_off + lo, n)])

    @pl.when(sid == NS - 1)
    def _():
      pltpu.sync_copy(elem_hbm.at[pl.ds(NS * slc, tail)],
                      idx_i0.at[pl.ds(0, tail)])

    def tail_convert():
      a = convert(tail)
      pltpu.sync_copy(out0.at[pl.ds(0, tail)],
                      shared_q.at[pl.ds(NS * slc, tail)])
      return a

    acc = lax.cond(sid == NS - 1, lambda: acc + tail_convert(), lambda: acc)

    out0[pl.ds(0, L)] = acc
    pltpu.sync_copy(out0.at[pl.ds(0, L)],
                    shared_part.at[pl.ds(pl.multiple_of(sid * L, 8), L)])
    plsc.subcore_barrier()
    pltpu.sync_copy(shared_q, table_v)
    pltpu.sync_copy(shared_part, out1.at[pl.ds(0, NS * L)])
    tot = jnp.zeros((L,), jnp.float32)
    for t in range(NS):
      tot = tot + out1[pl.ds(t * L, L)]
    m = jnp.sum(tot) * (1.0 / float(n_atoms))
    m_vec = jnp.full((L,), m, jnp.float32)

    def chunk_off(k):
      g = wid + NW * k
      return pl.multiple_of(g * chunk, chunk)

    def valid(k):
      return wid + NW * k < n_chunks_total

    def start_in(k, b):
      off = chunk_off(k)
      pltpu.async_copy(nbr_hbm.at[0, pl.ds(off, chunk)], idx_i_b[b],
                       sem_in.at[b])
      pltpu.async_copy(nbr_hbm.at[1, pl.ds(off, chunk)], idx_j_b[b],
                       sem_in.at[b])

    def wait_in(k, b):
      off = chunk_off(k)
      pltpu.make_async_copy(nbr_hbm.at[0, pl.ds(off, chunk)], idx_i_b[b],
                            sem_in.at[b]).wait()
      pltpu.make_async_copy(nbr_hbm.at[1, pl.ds(off, chunk)], idx_j_b[b],
                            sem_in.at[b]).wait()

    def start_out(k, b):
      off = chunk_off(k)
      pltpu.async_copy(out_b[b], out_hbm.at[pl.ds(off, chunk)],
                       sem_out.at[b])

    def wait_out(k, b):
      off = chunk_off(k)
      pltpu.make_async_copy(out_b[b], out_hbm.at[pl.ds(off, chunk)],
                            sem_out.at[b]).wait()

    start_in(0, 0)
    start_in(1, 1)

    def chunk_pair_body(kk, _):
      for b in range(2):
        k = kk * 2 + b

        @pl.when(valid(k))
        def _(k=k, b=b):
          wait_in(k, b)

          @pl.when(kk > 0)
          def _():
            wait_out(k - 2, b)

          ib = idx_i_b[b]
          jb = idx_j_b[b]
          ob = out_b[b]

          def pair_body(t, _, ib=ib, jb=jb, ob=ob):
            base_t = t * (L * U)
            sls = [pl.ds(base_t + u * L, L) for u in range(U)]
            iis = [ib[sl] for sl in sls]
            jjs = [jb[sl] for sl in sls]
            qis = [plsc.load_gather(table_v, [x]) for x in iis]
            qjs = [plsc.load_gather(table_v, [x]) for x in jjs]
            ps = [(qi - m_vec) * (qj - m_vec) for qi, qj in zip(qis, qjs)]
            for sl, p in zip(sls, ps):
              ob[sl] = p
            return 0

          lax.fori_loop(0, chunk // (L * U), pair_body, 0)
          start_out(k, b)

          @pl.when(valid(k + 2))
          def _():
            start_in(k + 2, b)
      return 0

    lax.fori_loop(0, k_steps // 2, chunk_pair_body, 0)

    for k in range(max(0, k_steps - 4), k_steps):
      @pl.when(valid(k) & jnp.logical_not(valid(k + 2)))
      def _(k=k):
        wait_out(k, k % 2)

  return k


@jax.jit
def kernel(element_idxs, neighbor_idxs, distances, base_charges):
  del distances
  b, n_atoms = element_idxs.shape
  n_pairs = neighbor_idxs.shape[1]
  elem = element_idxs.reshape(n_atoms).astype(jnp.int32)
  nbr = neighbor_idxs.astype(jnp.int32)
  base = jnp.zeros((L,), jnp.float32).at[:base_charges.shape[0]].set(
      base_charges.astype(jnp.float32))
  k = _make_kernel(n_atoms, n_pairs, chunk=2560)
  out = k(elem, nbr, base)
  return out.reshape(b, n_pairs)

# --- scband reference (transcript-rebuilt; emitter-appended) ---
"""Pipeline reference for scband-atomic-charges-63917703299817 (READ-ONLY COPY).

The authoritative reference and input builder live on the scoring server;
editing this copy changes nothing except your own understanding.
"""

import jax, jax.numpy as jnp
import numpy as np

N_ATOMS = 100000
N_PAIRS = 6400000
N_ELEMENTS = 10

def setup_inputs(seed: int = 0) -> dict:
    key = jax.random.key(seed)
    k1, k2, k3 = jax.random.split(key, 3)
    element_idxs = jax.random.randint(k1, (1, N_ATOMS), 0, N_ELEMENTS, dtype=jnp.int64 if jax.config.jax_enable_x64 else jnp.int32)
    neighbor_idxs = jax.random.randint(k2, (2, N_PAIRS), 0, N_ATOMS, dtype=jnp.int64 if jax.config.jax_enable_x64 else jnp.int32)
    distances = jax.random.uniform(k3, (N_PAIRS,), dtype=jnp.float32)
    base_charges = jnp.asarray([0.0, 0.17, -0.38, 0.21, -0.52, 0.08, -0.11, 0.33, -0.27, 0.05], dtype=jnp.float32)
    return {"element_idxs": element_idxs, "neighbor_idxs": neighbor_idxs, "distances": distances, "base_charges": base_charges}

def reference(element_idxs, neighbor_idxs, distances, base_charges):
    # raw_charges: constant base charges assigned per element (gather / embedding lookup)
    raw_charges = jnp.take(base_charges, element_idxs, axis=0)  # (B, N_atoms)
    # normalization_fn: shift so sum(normalized_charges) = 0 (total_charge = 0.0)
    charges = raw_charges - jnp.mean(raw_charges, axis=1, keepdims=True)
    # products: all pairwise products of normalized charges over the neighbor list
    q_i = charges[:, neighbor_idxs[0]]  # (B, N_pairs) gather
    q_j = charges[:, neighbor_idxs[1]]  # (B, N_pairs) gather
    return q_i * q_j

if __name__ == "__main__":
    import jax
    _d = setup_inputs()
    print(jax.jit(kernel)(*tuple(_d.values())))

</pallas_src>

<mosaic_0001>
#map = affine_map<(d0, d1) -> (0)>
#map1 = affine_map<(d0, d1) -> (0, 0)>
module attributes {stable_mosaic.version = 14 : i64} {
  func.func @k(%arg0: i32, %arg1: i32, %arg2: memref<100000xi32, #tpu.memory_space<hbm>>, %arg3: memref<2x6400000xi32, #tpu.memory_space<hbm>>, %arg4: memref<16xf32, #tpu.memory_space<hbm>>, %arg5: memref<6400000xf32, #tpu.memory_space<hbm>>, %arg6: memref<100000xf32, #tpu.memory_space<vmem>>, %arg7: memref<100000xf32, #tpu.memory_space<vmem_shared>>, %arg8: memref<256xf32, #tpu.memory_space<vmem_shared>>, %arg9: memref<16xf32, #tpu.memory_space<vmem>>, %arg10: memref<2560xi32, #tpu.memory_space<vmem>>, %arg11: memref<2560xi32, #tpu.memory_space<vmem>>, %arg12: memref<2560xi32, #tpu.memory_space<vmem>>, %arg13: memref<2560xi32, #tpu.memory_space<vmem>>, %arg14: memref<2560xf32, #tpu.memory_space<vmem>>, %arg15: memref<2560xf32, #tpu.memory_space<vmem>>, %arg16: memref<2x!tpu.dma_semaphore, #tpu.memory_space<semaphore_mem>>, %arg17: memref<2x!tpu.dma_semaphore, #tpu.memory_space<semaphore_mem>>) attributes {dimension_semantics = [#tpu.dimension_semantics<core_parallel>, #tpu.dimension_semantics<subcore_parallel>], iteration_bounds = array<i64: 2, 16>, scalar_prefetch = 0 : i64, scratch_operands = 12 : i64, tpu.core_type = #tpu.core_type<sc_vector_subcore>, window_params = [{transform_indices = #map}, {transform_indices = #map1}, {transform_indices = #map}, {transform_indices = #map}]} {
    %mul3A = arith.constant 2 : i32
    %mul3A_0 = arith.muli %arg1, %mul3A : i32
    %add3A = arith.addi %mul3A_0, %arg0 : i32
    "tpu.region"() ({
      %run_scoped3A = tpu.sem_alloc : memref<!tpu.dma_semaphore, #tpu.memory_space<semaphore_mem>>
      tpu.enqueue_dma source(%arg4 : memref<16xf32, #tpu.memory_space<hbm>>) target(%arg9 : memref<16xf32, #tpu.memory_space<vmem>>) target_semaphore(%run_scoped3A : memref<!tpu.dma_semaphore, #tpu.memory_space<semaphore_mem>>)
      tpu.wait_dma2 semaphore(%run_scoped3A : memref<!tpu.dma_semaphore, #tpu.memory_space<semaphore_mem>>) src(%arg4 : memref<16xf32, #tpu.memory_space<hbm>>) dst(%arg9 : memref<16xf32, #tpu.memory_space<vmem>>)
      tpu.yield
    }) : () -> ()
    %mul3A_1 = arith.constant 6240 : i32
    %mul3A_2 = arith.muli %arg1, %mul3A_1 : i32
    %multiple_of3A = tpu.assume_multiple %mul3A_2, 8 : i32
    %broadcast_in_dim3A = arith.constant 0.000000e+00 : f32
    %broadcast_in_dim3A_3 = vector.broadcast %broadcast_in_dim3A : f32 to vector<16xf32>
    %add3A_4 = arith.constant 0 : i32
    %add3A_5 = arith.addi %multiple_of3A, %add3A_4 : i32
    "tpu.region"() ({
      %run_scoped3A = tpu.sem_alloc : memref<!tpu.dma_semaphore, #tpu.memory_space<semaphore_mem>>
      %dma_start3A_210 = arith.constant 0 : i32
      %dma_start3A_211 = tpu.memref_slice %arg10[%dma_start3A_210] : memref<2560xi32, #tpu.memory_space<vmem>> -> memref<2560xi32, #tpu.memory_space<vmem>>
      %dma_start3A_212 = tpu.memref_slice %arg2[%add3A_5] : memref<100000xi32, #tpu.memory_space<hbm>> -> memref<2560xi32, #tpu.memory_space<hbm>>
      %dma_start3A_213 = arith.constant 0 : i32
      %dma_start3A_214 = tpu.memref_slice %arg10[%dma_start3A_213] : memref<2560xi32, #tpu.memory_space<vmem>> -> memref<2560xi32, #tpu.memory_space<vmem>>
      %dma_start3A_215 = tpu.memref_slice %arg2[%add3A_5] : memref<100000xi32, #tpu.memory_space<hbm>> -> memref<2560xi32, #tpu.memory_space<hbm>>
      tpu.enqueue_dma source(%dma_start3A_215 : memref<2560xi32, #tpu.memory_space<hbm>>) target(%dma_start3A_214 : memref<2560xi32, #tpu.memory_space<vmem>>) target_semaphore(%run_scoped3A : memref<!tpu.dma_semaphore, #tpu.memory_space<semaphore_mem>>)
      %dma_wait3A = arith.constant 0 : i32
      %dma_wait3A_216 = tpu.memref_slice %arg10[%dma_wait3A] : memref<2560xi32, #tpu.memory_space<vmem>> -> memref<2560xi32, #tpu.memory_space<vmem>>
      %dma_wait3A_217 = tpu.memref_slice %arg2[%add3A_5] : memref<100000xi32, #tpu.memory_space<hbm>> -> memref<2560xi32, #tpu.memory_space<hbm>>
      %dma_wait3A_218 = arith.constant 0 : i32
      %dma_wait3A_219 = tpu.memref_slice %arg10[%dma_wait3A_218] : memref<2560xi32, #tpu.memory_space<vmem>> -> memref<2560xi32, #tpu.memory_space<vmem>>
      %dma_wait3A_220 = tpu.memref_slice %arg2[%add3A_5] : memref<100000xi32, #tpu.memory_space<hbm>> -> memref<2560xi32, #tpu.memory_space<hbm>>
      tpu.wait_dma2 semaphore(%run_scoped3A : memref<!tpu.dma_semaphore, #tpu.memory_space<semaphore_mem>>) src(%dma_wait3A_220 : memref<2560xi32, #tpu.memory_space<hbm>>) dst(%dma_wait3A_219 : memref<2560xi32, #tpu.memory_space<vmem>>)
      tpu.yield
    }) : () -> ()
    %broadcast_in_dim3A_6 = arith.constant 0.000000e+00 : f32
    %broadcast_in_dim3A_7 = vector.broadcast %broadcast_in_dim3A_6 : f32 to vector<16xf32>
    %scan3A = arith.constant 0 : i32
    %scan3A_8 = arith.constant 32 : i32
    %scan3A_9 = arith.addi %scan3A, %scan3A_8 : i32
    %scan3A_10 = arith.constant 1 : i32
    %scan3A_11 = scf.for %scan3A_210 = %scan3A to %scan3A_9 step %scan3A_10 iter_args(%scan3A_211 = %broadcast_in_dim3A_7) -> (vector<16xf32>)  : i32 {
      %mul3A_212 = arith.constant 80 : i32
      %mul3A_213 = arith.muli %scan3A_210, %mul3A_212 : i32
      %add3A_214 = arith.constant 0 : i32
      %add3A_215 = arith.addi %mul3A_213, %add3A_214 : i32
      %add3A_216 = arith.constant 16 : i32
      %add3A_217 = arith.addi %mul3A_213, %add3A_216 : i32
      %add3A_218 = arith.constant 32 : i32
      %add3A_219 = arith.addi %mul3A_213, %add3A_218 : i32
      %add3A_220 = arith.constant 48 : i32
      %add3A_221 = arith.addi %mul3A_213, %add3A_220 : i32
      %add3A_222 = arith.constant 64 : i32
      %add3A_223 = arith.addi %mul3A_213, %add3A_222 : i32
      %get3A_224 = arith.index_cast %add3A_215 : i32 to index
      %get3A_225 = tpu.vector_load %arg10[%get3A_224] {strides = array<i32>} : memref<2560xi32, #tpu.memory_space<vmem>>, vector<16xi32>,
      %get3A_226 = arith.index_cast %add3A_217 : i32 to index
      %get3A_227 = tpu.vector_load %arg10[%get3A_226] {strides = array<i32>} : memref<2560xi32, #tpu.memory_space<vmem>>, vector<16xi32>,
      %get3A_228 = arith.index_cast %add3A_219 : i32 to index
      %get3A_229 = tpu.vector_load %arg10[%get3A_228] {strides = array<i32>} : memref<2560xi32, #tpu.memory_space<vmem>>, vector<16xi32>,
      %get3A_230 = arith.index_cast %add3A_221 : i32 to index
      %get3A_231 = tpu.vector_load %arg10[%get3A_230] {strides = array<i32>} : memref<2560xi32, #tpu.memory_space<vmem>>, vector<16xi32>,
      %get3A_232 = arith.index_cast %add3A_223 : i32 to index
      %get3A_233 = tpu.vector_load %arg10[%get3A_232] {strides = array<i32>} : memref<2560xi32, #tpu.memory_space<vmem>>, vector<16xi32>,
      %gather3A = tpu.vector_load_idx %arg9[%get3A_225] : memref<16xf32, #tpu.memory_space<vmem>>[vector<16xi32>], vector<16xf32>,
      %gather3A_234 = tpu.vector_load_idx %arg9[%get3A_227] : memref<16xf32, #tpu.memory_space<vmem>>[vector<16xi32>], vector<16xf32>,
      %gather3A_235 = tpu.vector_load_idx %arg9[%get3A_229] : memref<16xf32, #tpu.memory_space<vmem>>[vector<16xi32>], vector<16xf32>,
      %gather3A_236 = tpu.vector_load_idx %arg9[%get3A_231] : memref<16xf32, #tpu.memory_space<vmem>>[vector<16xi32>], vector<16xf32>,
      %gather3A_237 = tpu.vector_load_idx %arg9[%get3A_233] : memref<16xf32, #tpu.memory_space<vmem>>[vector<16xi32>], vector<16xf32>,
      %swap3A_238 = arith.index_cast %add3A_215 : i32 to index
      %swap3A_239 = tpu.vector_load %arg14[%swap3A_238] {strides = array<i32>} : memref<2560xf32, #tpu.memory_space<vmem>>, vector<16xf32>,
      tpu.vector_store %arg14[%swap3A_238], %gather3A {strides = array<i32>} : memref<2560xf32, #tpu.memory_space<vmem>>, vector<16xf32>,
      %swap3A_240 = arith.index_cast %add3A_217 : i32 to index
      %swap3A_241 = tpu.vector_load %arg14[%swap3A_240] {strides = array<i32>} : memref<2560xf32, #tpu.memory_space<vmem>>, vector<16xf32>,
      tpu.vector_store %arg14[%swap3A_240], %gather3A_234 {strides = array<i32>} : memref<2560xf32, #tpu.memory_space<vmem>>, vector<16xf32>,
      %swap3A_242 = arith.index_cast %add3A_219 : i32 to index
      %swap3A_243 = tpu.vector_load %arg14[%swap3A_242] {strides = array<i32>} : memref<2560xf32, #tpu.memory_space<vmem>>, vector<16xf32>,
      tpu.vector_store %arg14[%swap3A_242], %gather3A_235 {strides = array<i32>} : memref<2560xf32, #tpu.memory_space<vmem>>, vector<16xf32>,
      %swap3A_244 = arith.index_cast %add3A_221 : i32 to index
      %swap3A_245 = tpu.vector_load %arg14[%swap3A_244] {strides = array<i32>} : memref<2560xf32, #tpu.memory_space<vmem>>, vector<16xf32>,
      tpu.vector_store %arg14[%swap3A_244], %gather3A_236 {strides = array<i32>} : memref<2560xf32, #tpu.memory_space<vmem>>, vector<16xf32>,
      %swap3A_246 = arith.index_cast %add3A_223 : i32 to index
      %swap3A_247 = tpu.vector_load %arg14[%swap3A_246] {strides = array<i32>} : memref<2560xf32, #tpu.memory_space<vmem>>, vector<16xf32>,
      tpu.vector_store %arg14[%swap3A_246], %gather3A_237 {strides = array<i32>} : memref<2560xf32, #tpu.memory_space<vmem>>, vector<16xf32>,
      %add3A_248 = arith.addf %gather3A, %gather3A_234 : vector<16xf32>
      %add3A_249 = arith.addf %add3A_248, %gather3A_235 : vector<16xf32>
      %add3A_250 = arith.addf %add3A_249, %gather3A_236 : vector<16xf32>
      %add3A_251 = arith.addf %add3A_250, %gather3A_237 : vector<16xf32>
      %add3A_252 = arith.addf %scan3A_211, %add3A_251 : vector<16xf32>
      scf.yield %add3A_252 : vector<16xf32>
    }
    %scan3A_12 = arith.constant 32 : i32
    %add3A_13 = arith.addf %broadcast_in_dim3A_3, %scan3A_11 : vector<16xf32>
    %add3A_14 = arith.constant 0 : i32
    %add3A_15 = arith.addi %multiple_of3A, %add3A_14 : i32
    "tpu.region"() ({
      %run_scoped3A = tpu.sem_alloc : memref<!tpu.dma_semaphore, #tpu.memory_space<semaphore_mem>>
      %dma_start3A_210 = arith.constant 0 : i32
      %dma_start3A_211 = tpu.memref_slice %arg14[%dma_start3A_210] : memref<2560xf32, #tpu.memory_space<vmem>> -> memref<2560xf32, #tpu.memory_space<vmem>>
      %dma_start3A_212 = tpu.memref_slice %arg7[%add3A_15] : memref<100000xf32, #tpu.memory_space<vmem_shared>> -> memref<2560xf32, #tpu.memory_space<vmem_shared>>
      %dma_start3A_213 = tpu.memref_slice %arg7[%add3A_15] : memref<100000xf32, #tpu.memory_space<vmem_shared>> -> memref<2560xf32, #tpu.memory_space<vmem_shared>>
      %dma_start3A_214 = arith.constant 0 : i32
      %dma_start3A_215 = tpu.memref_slice %arg14[%dma_start3A_214] : memref<2560xf32, #tpu.memory_space<vmem>> -> memref<2560xf32, #tpu.memory_space<vmem>>
      tpu.enqueue_dma source(%dma_start3A_215 : memref<2560xf32, #tpu.memory_space<vmem>>) target(%dma_start3A_213 : memref<2560xf32, #tpu.memory_space<vmem_shared>>) target_semaphore(%run_scoped3A : memref<!tpu.dma_semaphore, #tpu.memory_space<semaphore_mem>>)
      %dma_wait3A = arith.constant 0 : i32
      %dma_wait3A_216 = tpu.memref_slice %arg14[%dma_wait3A] : memref<2560xf32, #tpu.memory_space<vmem>> -> memref<2560xf32, #tpu.memory_space<vmem>>
      %dma_wait3A_217 = tpu.memref_slice %arg7[%add3A_15] : memref<100000xf32, #tpu.memory_space<vmem_shared>> -> memref<2560xf32, #tpu.memory_space<vmem_shared>>
      %dma_wait3A_218 = tpu.memref_slice %arg7[%add3A_15] : memref<100000xf32, #tpu.memory_space<vmem_shared>> -> memref<2560xf32, #tpu.memory_space<vmem_shared>>
      %dma_wait3A_219 = arith.constant 0 : i32
      %dma_wait3A_220 = tpu.memref_slice %arg14[%dma_wait3A_219] : memref<2560xf32, #tpu.memory_space<vmem>> -> memref<2560xf32, #tpu.memory_space<vmem>>
      tpu.wait_dma2 semaphore(%run_scoped3A : memref<!tpu.dma_semaphore, #tpu.memory_space<semaphore_mem>>) src(%dma_wait3A_220 : memref<2560xf32, #tpu.memory_space<vmem>>) dst(%dma_wait3A_218 : memref<2560xf32, #tpu.memory_space<vmem_shared>>)
      tpu.yield
    }) : () -> ()
    %add3A_16 = arith.constant 2560 : i32
    %add3A_17 = arith.addi %multiple_of3A, %add3A_16 : i32
    "tpu.region"() ({
      %run_scoped3A = tpu.sem_alloc : memref<!tpu.dma_semaphore, #tpu.memory_space<semaphore_mem>>
      %dma_start3A_210 = arith.constant 0 : i32
      %dma_start3A_211 = tpu.memref_slice %arg10[%dma_start3A_210] : memref<2560xi32, #tpu.memory_space<vmem>> -> memref<2560xi32, #tpu.memory_space<vmem>>
      %dma_start3A_212 = tpu.memref_slice %arg2[%add3A_17] : memref<100000xi32, #tpu.memory_space<hbm>> -> memref<2560xi32, #tpu.memory_space<hbm>>
      %dma_start3A_213 = arith.constant 0 : i32
      %dma_start3A_214 = tpu.memref_slice %arg10[%dma_start3A_213] : memref<2560xi32, #tpu.memory_space<vmem>> -> memref<2560xi32, #tpu.memory_space<vmem>>
      %dma_start3A_215 = tpu.memref_slice %arg2[%add3A_17] : memref<100000xi32, #tpu.memory_space<hbm>> -> memref<2560xi32, #tpu.memory_space<hbm>>
      tpu.enqueue_dma source(%dma_start3A_215 : memref<2560xi32, #tpu.memory_space<hbm>>) target(%dma_start3A_214 : memref<2560xi32, #tpu.memory_space<vmem>>) target_semaphore(%run_scoped3A : memref<!tpu.dma_semaphore, #tpu.memory_space<semaphore_mem>>)
      %dma_wait3A = arith.constant 0 : i32
      %dma_wait3A_216 = tpu.memref_slice %arg10[%dma_wait3A] : memref<2560xi32, #tpu.memory_space<vmem>> -> memref<2560xi32, #tpu.memory_space<vmem>>
      %dma_wait3A_217 = tpu.memref_slice %arg2[%add3A_17] : memref<100000xi32, #tpu.memory_space<hbm>> -> memref<2560xi32, #tpu.memory_space<hbm>>
      %dma_wait3A_218 = arith.constant 0 : i32
      %dma_wait3A_219 = tpu.memref_slice %arg10[%dma_wait3A_218] : memref<2560xi32, #tpu.memory_space<vmem>> -> memref<2560xi32, #tpu.memory_space<vmem>>
      %dma_wait3A_220 = tpu.memref_slice %arg2[%add3A_17] : memref<100000xi32, #tpu.memory_space<hbm>> -> memref<2560xi32, #tpu.memory_space<hbm>>
      tpu.wait_dma2 semaphore(%run_scoped3A : memref<!tpu.dma_semaphore, #tpu.memory_space<semaphore_mem>>) src(%dma_wait3A_220 : memref<2560xi32, #tpu.memory_space<hbm>>) dst(%dma_wait3A_219 : memref<2560xi32, #tpu.memory_space<vmem>>)
      tpu.yield
    }) : () -> ()
    %broadcast_in_dim3A_18 = arith.constant 0.000000e+00 : f32
    %broadcast_in_dim3A_19 = vector.broadcast %broadcast_in_dim3A_18 : f32 to vector<16xf32>
    %scan3A_20 = arith.constant 0 : i32
    %scan3A_21 = arith.constant 32 : i32
    %scan3A_22 = arith.addi %scan3A_20, %scan3A_21 : i32
    %scan3A_23 = arith.constant 1 : i32
    %scan3A_24 = scf.for %scan3A_210 = %scan3A_20 to %scan3A_22 step %scan3A_23 iter_args(%scan3A_211 = %broadcast_in_dim3A_19) -> (vector<16xf32>)  : i32 {
      %mul3A_212 = arith.constant 80 : i32
      %mul3A_213 = arith.muli %scan3A_210, %mul3A_212 : i32
      %add3A_214 = arith.constant 0 : i32
      %add3A_215 = arith.addi %mul3A_213, %add3A_214 : i32
      %add3A_216 = arith.constant 16 : i32
      %add3A_217 = arith.addi %mul3A_213, %add3A_216 : i32
      %add3A_218 = arith.constant 32 : i32
      %add3A_219 = arith.addi %mul3A_213, %add3A_218 : i32
      %add3A_220 = arith.constant 48 : i32
      %add3A_221 = arith.addi %mul3A_213, %add3A_220 : i32
      %add3A_222 = arith.constant 64 : i32
      %add3A_223 = arith.addi %mul3A_213, %add3A_222 : i32
      %get3A_224 = arith.index_cast %add3A_215 : i32 to index
      %get3A_225 = tpu.vector_load %arg10[%get3A_224] {strides = array<i32>} : memref<2560xi32, #tpu.memory_space<vmem>>, vector<16xi32>,
      %get3A_226 = arith.index_cast %add3A_217 : i32 to index
      %get3A_227 = tpu.vector_load %arg10[%get3A_226] {strides = array<i32>} : memref<2560xi32, #tpu.memory_space<vmem>>, vector<16xi32>,
      %get3A_228 = arith.index_cast %add3A_219 : i32 to index
      %get3A_229 = tpu.vector_load %arg10[%get3A_228] {strides = array<i32>} : memref<2560xi32, #tpu.memory_space<vmem>>, vector<16xi32>,
      %get3A_230 = arith.index_cast %add3A_221 : i32 to index
      %get3A_231 = tpu.vector_load %arg10[%get3A_230] {strides = array<i32>} : memref<2560xi32, #tpu.memory_space<vmem>>, vector<16xi32>,
      %get3A_232 = arith.index_cast %add3A_223 : i32 to index
      %get3A_233 = tpu.vector_load %arg10[%get3A_232] {strides = array<i32>} : memref<2560xi32, #tpu.memory_space<vmem>>, vector<16xi32>,
      %gather3A = tpu.vector_load_idx %arg9[%get3A_225] : memref<16xf32, #tpu.memory_space<vmem>>[vector<16xi32>], vector<16xf32>,
      %gather3A_234 = tpu.vector_load_idx %arg9[%get3A_227] : memref<16xf32, #tpu.memory_space<vmem>>[vector<16xi32>], vector<16xf32>,
      %gather3A_235 = tpu.vector_load_idx %arg9[%get3A_229] : memref<16xf32, #tpu.memory_space<vmem>>[vector<16xi32>], vector<16xf32>,
      %gather3A_236 = tpu.vector_load_idx %arg9[%get3A_231] : memref<16xf32, #tpu.memory_space<vmem>>[vector<16xi32>], vector<16xf32>,
      %gather3A_237 = tpu.vector_load_idx %arg9[%get3A_233] : memref<16xf32, #tpu.memory_space<vmem>>[vector<16xi32>], vector<16xf32>,
      %swap3A_238 = arith.index_cast %add3A_215 : i32 to index
      %swap3A_239 = tpu.vector_load %arg14[%swap3A_238] {strides = array<i32>} : memref<2560xf32, #tpu.memory_space<vmem>>, vector<16xf32>,
      tpu.vector_store %arg14[%swap3A_238], %gather3A {strides = array<i32>} : memref<2560xf32, #tpu.memory_space<vmem>>, vector<16xf32>,
      %swap3A_240 = arith.index_cast %add3A_217 : i32 to index
      %swap3A_241 = tpu.vector_load %arg14[%swap3A_240] {strides = array<i32>} : memref<2560xf32, #tpu.memory_space<vmem>>, vector<16xf32>,
      tpu.vector_store %arg14[%swap3A_240], %gather3A_234 {strides = array<i32>} : memref<2560xf32, #tpu.memory_space<vmem>>, vector<16xf32>,
      %swap3A_242 = arith.index_cast %add3A_219 : i32 to index
      %swap3A_243 = tpu.vector_load %arg14[%swap3A_242] {strides = array<i32>} : memref<2560xf32, #tpu.memory_space<vmem>>, vector<16xf32>,
      tpu.vector_store %arg14[%swap3A_242], %gather3A_235 {strides = array<i32>} : memref<2560xf32, #tpu.memory_space<vmem>>, vector<16xf32>,
      %swap3A_244 = arith.index_cast %add3A_221 : i32 to index
      %swap3A_245 = tpu.vector_load %arg14[%swap3A_244] {strides = array<i32>} : memref<2560xf32, #tpu.memory_space<vmem>>, vector<16xf32>,
      tpu.vector_store %arg14[%swap3A_244], %gather3A_236 {strides = array<i32>} : memref<2560xf32, #tpu.memory_space<vmem>>, vector<16xf32>,
      %swap3A_246 = arith.index_cast %add3A_223 : i32 to index
      %swap3A_247 = tpu.vector_load %arg14[%swap3A_246] {strides = array<i32>} : memref<2560xf32, #tpu.memory_space<vmem>>, vector<16xf32>,
      tpu.vector_store %arg14[%swap3A_246], %gather3A_237 {strides = array<i32>} : memref<2560xf32, #tpu.memory_space<vmem>>, vector<16xf32>,
      %add3A_248 = arith.addf %gather3A, %gather3A_234 : vector<16xf32>
      %add3A_249 = arith.addf %add3A_248, %gather3A_235 : vector<16xf32>
      %add3A_250 = arith.addf %add3A_249, %gather3A_236 : vector<16xf32>
      %add3A_251 = arith.addf %add3A_250, %gather3A_237 : vector<16xf32>
      %add3A_252 = arith.addf %scan3A_211, %add3A_251 : vector<16xf32>
      scf.yield %add3A_252 : vector<16xf32>
    }
    %scan3A_25 = arith.constant 32 : i32
    %add3A_26 = arith.addf %add3A_13, %scan3A_24 : vector<16xf32>
    %add3A_27 = arith.constant 2560 : i32
    %add3A_28 = arith.addi %multiple_of3A, %add3A_27 : i32
    "tpu.region"() ({
      %run_scoped3A = tpu.sem_alloc : memref<!tpu.dma_semaphore, #tpu.memory_space<semaphore_mem>>
      %dma_start3A_210 = arith.constant 0 : i32
      %dma_start3A_211 = tpu.memref_slice %arg14[%dma_start3A_210] : memref<2560xf32, #tpu.memory_space<vmem>> -> memref<2560xf32, #tpu.memory_space<vmem>>
      %dma_start3A_212 = tpu.memref_slice %arg7[%add3A_28] : memref<100000xf32, #tpu.memory_space<vmem_shared>> -> memref<2560xf32, #tpu.memory_space<vmem_shared>>
      %dma_start3A_213 = tpu.memref_slice %arg7[%add3A_28] : memref<100000xf32, #tpu.memory_space<vmem_shared>> -> memref<2560xf32, #tpu.memory_space<vmem_shared>>
      %dma_start3A_214 = arith.constant 0 : i32
      %dma_start3A_215 = tpu.memref_slice %arg14[%dma_start3A_214] : memref<2560xf32, #tpu.memory_space<vmem>> -> memref<2560xf32, #tpu.memory_space<vmem>>
      tpu.enqueue_dma source(%dma_start3A_215 : memref<2560xf32, #tpu.memory_space<vmem>>) target(%dma_start3A_213 : memref<2560xf32, #tpu.memory_space<vmem_shared>>) target_semaphore(%run_scoped3A : memref<!tpu.dma_semaphore, #tpu.memory_space<semaphore_mem>>)
      %dma_wait3A = arith.constant 0 : i32
      %dma_wait3A_216 = tpu.memref_slice %arg14[%dma_wait3A] : memref<2560xf32, #tpu.memory_space<vmem>> -> memref<2560xf32, #tpu.memory_space<vmem>>
      %dma_wait3A_217 = tpu.memref_slice %arg7[%add3A_28] : memref<100000xf32, #tpu.memory_space<vmem_shared>> -> memref<2560xf32, #tpu.memory_space<vmem_shared>>
      %dma_wait3A_218 = tpu.memref_slice %arg7[%add3A_28] : memref<100000xf32, #tpu.memory_space<vmem_shared>> -> memref<2560xf32, #tpu.memory_space<vmem_shared>>
      %dma_wait3A_219 = arith.constant 0 : i32
      %dma_wait3A_220 = tpu.memref_slice %arg14[%dma_wait3A_219] : memref<2560xf32, #tpu.memory_space<vmem>> -> memref<2560xf32, #tpu.memory_space<vmem>>
      tpu.wait_dma2 semaphore(%run_scoped3A : memref<!tpu.dma_semaphore, #tpu.memory_space<semaphore_mem>>) src(%dma_wait3A_220 : memref<2560xf32, #tpu.memory_space<vmem>>) dst(%dma_wait3A_218 : memref<2560xf32, #tpu.memory_space<vmem_shared>>)
      tpu.yield
    }) : () -> ()
    %add3A_29 = arith.constant 5120 : i32
    %add3A_30 = arith.addi %multiple_of3A, %add3A_29 : i32
    "tpu.region"() ({
      %run_scoped3A = tpu.sem_alloc : memref<!tpu.dma_semaphore, #tpu.memory_space<semaphore_mem>>
      %dma_start3A_210 = arith.constant 0 : i32
      %dma_start3A_211 = tpu.memref_slice %arg10[%dma_start3A_210] : memref<2560xi32, #tpu.memory_space<vmem>> -> memref<1120xi32, #tpu.memory_space<vmem>>
      %dma_start3A_212 = tpu.memref_slice %arg2[%add3A_30] : memref<100000xi32, #tpu.memory_space<hbm>> -> memref<1120xi32, #tpu.memory_space<hbm>>
      %dma_start3A_213 = arith.constant 0 : i32
      %dma_start3A_214 = tpu.memref_slice %arg10[%dma_start3A_213] : memref<2560xi32, #tpu.memory_space<vmem>> -> memref<1120xi32, #tpu.memory_space<vmem>>
      %dma_start3A_215 = tpu.memref_slice %arg2[%add3A_30] : memref<100000xi32, #tpu.memory_space<hbm>> -> memref<1120xi32, #tpu.memory_space<hbm>>
      tpu.enqueue_dma source(%dma_start3A_215 : memref<1120xi32, #tpu.memory_space<hbm>>) target(%dma_start3A_214 : memref<1120xi32, #tpu.memory_space<vmem>>) target_semaphore(%run_scoped3A : memref<!tpu.dma_semaphore, #tpu.memory_space<semaphore_mem>>)
      %dma_wait3A = arith.constant 0 : i32
      %dma_wait3A_216 = tpu.memref_slice %arg10[%dma_wait3A] : memref<2560xi32, #tpu.memory_space<vmem>> -> memref<1120xi32, #tpu.memory_space<vmem>>
      %dma_wait3A_217 = tpu.memref_slice %arg2[%add3A_30] : memref<100000xi32, #tpu.memory_space<hbm>> -> memref<1120xi32, #tpu.memory_space<hbm>>
      %dma_wait3A_218 = arith.constant 0 : i32
      %dma_wait3A_219 = tpu.memref_slice %arg10[%dma_wait3A_218] : memref<2560xi32, #tpu.memory_space<vmem>> -> memref<1120xi32, #tpu.memory_space<vmem>>
      %dma_wait3A_220 = tpu.memref_slice %arg2[%add3A_30] : memref<100000xi32, #tpu.memory_space<hbm>> -> memref<1120xi32, #tpu.memory_space<hbm>>
      tpu.wait_dma2 semaphore(%run_scoped3A : memref<!tpu.dma_semaphore, #tpu.memory_space<semaphore_mem>>) src(%dma_wait3A_220 : memref<1120xi32, #tpu.memory_space<hbm>>) dst(%dma_wait3A_219 : memref<1120xi32, #tpu.memory_space<vmem>>)
      tpu.yield
    }) : () -> ()
    %broadcast_in_dim3A_31 = arith.constant 0.000000e+00 : f32
    %broadcast_in_dim3A_32 = vector.broadcast %broadcast_in_dim3A_31 : f32 to vector<16xf32>
    %scan3A_33 = arith.constant 0 : i32
    %scan3A_34 = arith.constant 14 : i32
    %scan3A_35 = arith.addi %scan3A_33, %scan3A_34 : i32
    %scan3A_36 = arith.constant 1 : i32
    %scan3A_37 = scf.for %scan3A_210 = %scan3A_33 to %scan3A_35 step %scan3A_36 iter_args(%scan3A_211 = %broadcast_in_dim3A_32) -> (vector<16xf32>)  : i32 {
      %mul3A_212 = arith.constant 80 : i32
      %mul3A_213 = arith.muli %scan3A_210, %mul3A_212 : i32
      %add3A_214 = arith.constant 0 : i32
      %add3A_215 = arith.addi %mul3A_213, %add3A_214 : i32
      %add3A_216 = arith.constant 16 : i32
      %add3A_217 = arith.addi %mul3A_213, %add3A_216 : i32
      %add3A_218 = arith.constant 32 : i32
      %add3A_219 = arith.addi %mul3A_213, %add3A_218 : i32
      %add3A_220 = arith.constant 48 : i32
      %add3A_221 = arith.addi %mul3A_213, %add3A_220 : i32
      %add3A_222 = arith.constant 64 : i32
      %add3A_223 = arith.addi %mul3A_213, %add3A_222 : i32
      %get3A_224 = arith.index_cast %add3A_215 : i32 to index
      %get3A_225 = tpu.vector_load %arg10[%get3A_224] {strides = array<i32>} : memref<2560xi32, #tpu.memory_space<vmem>>, vector<16xi32>,
      %get3A_226 = arith.index_cast %add3A_217 : i32 to index
      %get3A_227 = tpu.vector_load %arg10[%get3A_226] {strides = array<i32>} : memref<2560xi32, #tpu.memory_space<vmem>>, vector<16xi32>,
      %get3A_228 = arith.index_cast %add3A_219 : i32 to index
      %get3A_229 = tpu.vector_load %arg10[%get3A_228] {strides = array<i32>} : memref<2560xi32, #tpu.memory_space<vmem>>, vector<16xi32>,
      %get3A_230 = arith.index_cast %add3A_221 : i32 to index
      %get3A_231 = tpu.vector_load %arg10[%get3A_230] {strides = array<i32>} : memref<2560xi32, #tpu.memory_space<vmem>>, vector<16xi32>,
      %get3A_232 = arith.index_cast %add3A_223 : i32 to index
      %get3A_233 = tpu.vector_load %arg10[%get3A_232] {strides = array<i32>} : memref<2560xi32, #tpu.memory_space<vmem>>, vector<16xi32>,
      %gather3A = tpu.vector_load_idx %arg9[%get3A_225] : memref<16xf32, #tpu.memory_space<vmem>>[vector<16xi32>], vector<16xf32>,
      %gather3A_234 = tpu.vector_load_idx %arg9[%get3A_227] : memref<16xf32, #tpu.memory_space<vmem>>[vector<16xi32>], vector<16xf32>,
      %gather3A_235 = tpu.vector_load_idx %arg9[%get3A_229] : memref<16xf32, #tpu.memory_space<vmem>>[vector<16xi32>], vector<16xf32>,
      %gather3A_236 = tpu.vector_load_idx %arg9[%get3A_231] : memref<16xf32, #tpu.memory_space<vmem>>[vector<16xi32>], vector<16xf32>,
      %gather3A_237 = tpu.vector_load_idx %arg9[%get3A_233] : memref<16xf32, #tpu.memory_space<vmem>>[vector<16xi32>], vector<16xf32>,
      %swap3A_238 = arith.index_cast %add3A_215 : i32 to index
      %swap3A_239 = tpu.vector_load %arg14[%swap3A_238] {strides = array<i32>} : memref<2560xf32, #tpu.memory_space<vmem>>, vector<16xf32>,
      tpu.vector_store %arg14[%swap3A_238], %gather3A {strides = array<i32>} : memref<2560xf32, #tpu.memory_space<vmem>>, vector<16xf32>,
      %swap3A_240 = arith.index_cast %add3A_217 : i32 to index
      %swap3A_241 = tpu.vector_load %arg14[%swap3A_240] {strides = array<i32>} : memref<2560xf32, #tpu.memory_space<vmem>>, vector<16xf32>,
      tpu.vector_store %arg14[%swap3A_240], %gather3A_234 {strides = array<i32>} : memref<2560xf32, #tpu.memory_space<vmem>>, vector<16xf32>,
      %swap3A_242 = arith.index_cast %add3A_219 : i32 to index
      %swap3A_243 = tpu.vector_load %arg14[%swap3A_242] {strides = array<i32>} : memref<2560xf32, #tpu.memory_space<vmem>>, vector<16xf32>,
      tpu.vector_store %arg14[%swap3A_242], %gather3A_235 {strides = array<i32>} : memref<2560xf32, #tpu.memory_space<vmem>>, vector<16xf32>,
      %swap3A_244 = arith.index_cast %add3A_221 : i32 to index
      %swap3A_245 = tpu.vector_load %arg14[%swap3A_244] {strides = array<i32>} : memref<2560xf32, #tpu.memory_space<vmem>>, vector<16xf32>,
      tpu.vector_store %arg14[%swap3A_244], %gather3A_236 {strides = array<i32>} : memref<2560xf32, #tpu.memory_space<vmem>>, vector<16xf32>,
      %swap3A_246 = arith.index_cast %add3A_223 : i32 to index
      %swap3A_247 = tpu.vector_load %arg14[%swap3A_246] {strides = array<i32>} : memref<2560xf32, #tpu.memory_space<vmem>>, vector<16xf32>,
      tpu.vector_store %arg14[%swap3A_246], %gather3A_237 {strides = array<i32>} : memref<2560xf32, #tpu.memory_space<vmem>>, vector<16xf32>,
      %add3A_248 = arith.addf %gather3A, %gather3A_234 : vector<16xf32>
      %add3A_249 = arith.addf %add3A_248, %gather3A_235 : vector<16xf32>
      %add3A_250 = arith.addf %add3A_249, %gather3A_236 : vector<16xf32>
      %add3A_251 = arith.addf %add3A_250, %gather3A_237 : vector<16xf32>
      %add3A_252 = arith.addf %scan3A_211, %add3A_251 : vector<16xf32>
      scf.yield %add3A_252 : vector<16xf32>
    }
    %scan3A_38 = arith.constant 14 : i32
    %add3A_39 = arith.addf %add3A_26, %scan3A_37 : vector<16xf32>
    %add3A_40 = arith.constant 5120 : i32
    %add3A_41 = arith.addi %multiple_of3A, %add3A_40 : i32
    "tpu.region"() ({
      %run_scoped3A = tpu.sem_alloc : memref<!tpu.dma_semaphore, #tpu.memory_space<semaphore_mem>>
      %dma_start3A_210 = arith.constant 0 : i32
      %dma_start3A_211 = tpu.memref_slice %arg14[%dma_start3A_210] : memref<2560xf32, #tpu.memory_space<vmem>> -> memref<1120xf32, #tpu.memory_space<vmem>>
      %dma_start3A_212 = tpu.memref_slice %arg7[%add3A_41] : memref<100000xf32, #tpu.memory_space<vmem_shared>> -> memref<1120xf32, #tpu.memory_space<vmem_shared>>
      %dma_start3A_213 = tpu.memref_slice %arg7[%add3A_41] : memref<100000xf32, #tpu.memory_space<vmem_shared>> -> memref<1120xf32, #tpu.memory_space<vmem_shared>>
      %dma_start3A_214 = arith.constant 0 : i32
      %dma_start3A_215 = tpu.memref_slice %arg14[%dma_start3A_214] : memref<2560xf32, #tpu.memory_space<vmem>> -> memref<1120xf32, #tpu.memory_space<vmem>>
      tpu.enqueue_dma source(%dma_start3A_215 : memref<1120xf32, #tpu.memory_space<vmem>>) target(%dma_start3A_213 : memref<1120xf32, #tpu.memory_space<vmem_shared>>) target_semaphore(%run_scoped3A : memref<!tpu.dma_semaphore, #tpu.memory_space<semaphore_mem>>)
      %dma_wait3A = arith.constant 0 : i32
      %dma_wait3A_216 = tpu.memref_slice %arg14[%dma_wait3A] : memref<2560xf32, #tpu.memory_space<vmem>> -> memref<1120xf32, #tpu.memory_space<vmem>>
      %dma_wait3A_217 = tpu.memref_slice %arg7[%add3A_41] : memref<100000xf32, #tpu.memory_space<vmem_shared>> -> memref<1120xf32, #tpu.memory_space<vmem_shared>>
      %dma_wait3A_218 = tpu.memref_slice %arg7[%add3A_41] : memref<100000xf32, #tpu.memory_space<vmem_shared>> -> memref<1120xf32, #tpu.memory_space<vmem_shared>>
      %dma_wait3A_219 = arith.constant 0 : i32
      %dma_wait3A_220 = tpu.memref_slice %arg14[%dma_wait3A_219] : memref<2560xf32, #tpu.memory_space<vmem>> -> memref<1120xf32, #tpu.memory_space<vmem>>
      tpu.wait_dma2 semaphore(%run_scoped3A : memref<!tpu.dma_semaphore, #tpu.memory_space<semaphore_mem>>) src(%dma_wait3A_220 : memref<1120xf32, #tpu.memory_space<vmem>>) dst(%dma_wait3A_218 : memref<1120xf32, #tpu.memory_space<vmem_shared>>)
      tpu.yield
    }) : () -> ()
    %eq3A = arith.constant 15 : i32
    %eq3A_42 = arith.cmpi eq, %arg1, %eq3A : i32
    %convert_element_type3A = arith.extui %eq3A_42 : i1 to i32
    %cond3A = arith.constant 0 : i32
    %cond3A_43 = arith.cmpi ne, %convert_element_type3A, %cond3A : i32
    scf.if %cond3A_43 {
      "tpu.region"() ({
        %run_scoped3A = tpu.sem_alloc : memref<!tpu.dma_semaphore, #tpu.memory_space<semaphore_mem>>
        %dma_start3A_210 = arith.constant 0 : i32
        %dma_start3A_211 = tpu.memref_slice %arg10[%dma_start3A_210] : memref<2560xi32, #tpu.memory_space<vmem>> -> memref<160xi32, #tpu.memory_space<vmem>>
        %dma_start3A_212 = arith.constant 99840 : i32
        %dma_start3A_213 = tpu.memref_slice %arg2[%dma_start3A_212] : memref<100000xi32, #tpu.memory_space<hbm>> -> memref<160xi32, #tpu.memory_space<hbm>>
        %dma_start3A_214 = arith.constant 0 : i32
        %dma_start3A_215 = tpu.memref_slice %arg10[%dma_start3A_214] : memref<2560xi32, #tpu.memory_space<vmem>> -> memref<160xi32, #tpu.memory_space<vmem>>
        %dma_start3A_216 = arith.constant 99840 : i32
        %dma_start3A_217 = tpu.memref_slice %arg2[%dma_start3A_216] : memref<100000xi32, #tpu.memory_space<hbm>> -> memref<160xi32, #tpu.memory_space<hbm>>
        tpu.enqueue_dma source(%dma_start3A_217 : memref<160xi32, #tpu.memory_space<hbm>>) target(%dma_start3A_215 : memref<160xi32, #tpu.memory_space<vmem>>) target_semaphore(%run_scoped3A : memref<!tpu.dma_semaphore, #tpu.memory_space<semaphore_mem>>)
        %dma_wait3A = arith.constant 0 : i32
        %dma_wait3A_218 = tpu.memref_slice %arg10[%dma_wait3A] : memref<2560xi32, #tpu.memory_space<vmem>> -> memref<160xi32, #tpu.memory_space<vmem>>
        %dma_wait3A_219 = arith.constant 99840 : i32
        %dma_wait3A_220 = tpu.memref_slice %arg2[%dma_wait3A_219] : memref<100000xi32, #tpu.memory_space<hbm>> -> memref<160xi32, #tpu.memory_space<hbm>>
        %dma_wait3A_221 = arith.constant 0 : i32
        %dma_wait3A_222 = tpu.memref_slice %arg10[%dma_wait3A_221] : memref<2560xi32, #tpu.memory_space<vmem>> -> memref<160xi32, #tpu.memory_space<vmem>>
        %dma_wait3A_223 = arith.constant 99840 : i32
        %dma_wait3A_224 = tpu.memref_slice %arg2[%dma_wait3A_223] : memref<100000xi32, #tpu.memory_space<hbm>> -> memref<160xi32, #tpu.memory_space<hbm>>
        tpu.wait_dma2 semaphore(%run_scoped3A : memref<!tpu.dma_semaphore, #tpu.memory_space<semaphore_mem>>) src(%dma_wait3A_224 : memref<160xi32, #tpu.memory_space<hbm>>) dst(%dma_wait3A_222 : memref<160xi32, #tpu.memory_space<vmem>>)
        tpu.yield
      }) : () -> ()
    } else {
    }
    %eq3A_44 = arith.constant 15 : i32
    %eq3A_45 = arith.cmpi eq, %arg1, %eq3A_44 : i32
    %convert_element_type3A_46 = arith.extui %eq3A_45 : i1 to i32
    %cond3A_47 = arith.constant 0 : i32
    %cond3A_48 = arith.cmpi ne, %convert_element_type3A_46, %cond3A_47 : i32
    %cond3A_49 = scf.if %cond3A_48 -> (vector<16xf32>) {
      %broadcast_in_dim3A_210 = arith.constant 0.000000e+00 : f32
      %broadcast_in_dim3A_211 = vector.broadcast %broadcast_in_dim3A_210 : f32 to vector<16xf32>
      %scan3A_212 = arith.constant 0 : i32
      %scan3A_213 = arith.constant 2 : i32
      %scan3A_214 = arith.addi %scan3A_212, %scan3A_213 : i32
      %scan3A_215 = arith.constant 1 : i32
      %scan3A_216 = scf.for %scan3A_219 = %scan3A_212 to %scan3A_214 step %scan3A_215 iter_args(%scan3A_220 = %broadcast_in_dim3A_211) -> (vector<16xf32>)  : i32 {
        %mul3A_221 = arith.constant 80 : i32
        %mul3A_222 = arith.muli %scan3A_219, %mul3A_221 : i32
        %add3A_223 = arith.constant 0 : i32
        %add3A_224 = arith.addi %mul3A_222, %add3A_223 : i32
        %add3A_225 = arith.constant 16 : i32
        %add3A_226 = arith.addi %mul3A_222, %add3A_225 : i32
        %add3A_227 = arith.constant 32 : i32
        %add3A_228 = arith.addi %mul3A_222, %add3A_227 : i32
        %add3A_229 = arith.constant 48 : i32
        %add3A_230 = arith.addi %mul3A_222, %add3A_229 : i32
        %add3A_231 = arith.constant 64 : i32
        %add3A_232 = arith.addi %mul3A_222, %add3A_231 : i32
        %get3A_233 = arith.index_cast %add3A_224 : i32 to index
        %get3A_234 = tpu.vector_load %arg10[%get3A_233] {strides = array<i32>} : memref<2560xi32, #tpu.memory_space<vmem>>, vector<16xi32>,
        %get3A_235 = arith.index_cast %add3A_226 : i32 to index
        %get3A_236 = tpu.vector_load %arg10[%get3A_235] {strides = array<i32>} : memref<2560xi32, #tpu.memory_space<vmem>>, vector<16xi32>,
        %get3A_237 = arith.index_cast %add3A_228 : i32 to index
        %get3A_238 = tpu.vector_load %arg10[%get3A_237] {strides = array<i32>} : memref<2560xi32, #tpu.memory_space<vmem>>, vector<16xi32>,
        %get3A_239 = arith.index_cast %add3A_230 : i32 to index
        %get3A_240 = tpu.vector_load %arg10[%get3A_239] {strides = array<i32>} : memref<2560xi32, #tpu.memory_space<vmem>>, vector<16xi32>,
        %get3A_241 = arith.index_cast %add3A_232 : i32 to index
        %get3A_242 = tpu.vector_load %arg10[%get3A_241] {strides = array<i32>} : memref<2560xi32, #tpu.memory_space<vmem>>, vector<16xi32>,
        %gather3A = tpu.vector_load_idx %arg9[%get3A_234] : memref<16xf32, #tpu.memory_space<vmem>>[vector<16xi32>], vector<16xf32>,
        %gather3A_243 = tpu.vector_load_idx %arg9[%get3A_236] : memref<16xf32, #tpu.memory_space<vmem>>[vector<16xi32>], vector<16xf32>,
        %gather3A_244 = tpu.vector_load_idx %arg9[%get3A_238] : memref<16xf32, #tpu.memory_space<vmem>>[vector<16xi32>], vector<16xf32>,
        %gather3A_245 = tpu.vector_load_idx %arg9[%get3A_240] : memref<16xf32, #tpu.memory_space<vmem>>[vector<16xi32>], vector<16xf32>,
        %gather3A_246 = tpu.vector_load_idx %arg9[%get3A_242] : memref<16xf32, #tpu.memory_space<vmem>>[vector<16xi32>], vector<16xf32>,
        %swap3A_247 = arith.index_cast %add3A_224 : i32 to index
        %swap3A_248 = tpu.vector_load %arg14[%swap3A_247] {strides = array<i32>} : memref<2560xf32, #tpu.memory_space<vmem>>, vector<16xf32>,
        tpu.vector_store %arg14[%swap3A_247], %gather3A {strides = array<i32>} : memref<2560xf32, #tpu.memory_space<vmem>>, vector<16xf32>,
        %swap3A_249 = arith.index_cast %add3A_226 : i32 to index
        %swap3A_250 = tpu.vector_load %arg14[%swap3A_249] {strides = array<i32>} : memref<2560xf32, #tpu.memory_space<vmem>>, vector<16xf32>,
        tpu.vector_store %arg14[%swap3A_249], %gather3A_243 {strides = array<i32>} : memref<2560xf32, #tpu.memory_space<vmem>>, vector<16xf32>,
        %swap3A_251 = arith.index_cast %add3A_228 : i32 to index
        %swap3A_252 = tpu.vector_load %arg14[%swap3A_251] {strides = array<i32>} : memref<2560xf32, #tpu.memory_space<vmem>>, vector<16xf32>,
        tpu.vector_store %arg14[%swap3A_251], %gather3A_244 {strides = array<i32>} : memref<2560xf32, #tpu.memory_space<vmem>>, vector<16xf32>,
        %swap3A_253 = arith.index_cast %add3A_230 : i32 to index
        %swap3A_254 = tpu.vector_load %arg14[%swap3A_253] {strides = array<i32>} : memref<2560xf32, #tpu.memory_space<vmem>>, vector<16xf32>,
        tpu.vector_store %arg14[%swap3A_253], %gather3A_245 {strides = array<i32>} : memref<2560xf32, #tpu.memory_space<vmem>>, vector<16xf32>,
        %swap3A_255 = arith.index_cast %add3A_232 : i32 to index
        %swap3A_256 = tpu.vector_load %arg14[%swap3A_255] {strides = array<i32>} : memref<2560xf32, #tpu.memory_space<vmem>>, vector<16xf32>,
        tpu.vector_store %arg14[%swap3A_255], %gather3A_246 {strides = array<i32>} : memref<2560xf32, #tpu.memory_space<vmem>>, vector<16xf32>,
        %add3A_257 = arith.addf %gather3A, %gather3A_243 : vector<16xf32>
        %add3A_258 = arith.addf %add3A_257, %gather3A_244 : vector<16xf32>
        %add3A_259 = arith.addf %add3A_258, %gather3A_245 : vector<16xf32>
        %add3A_260 = arith.addf %add3A_259, %gather3A_246 : vector<16xf32>
        %add3A_261 = arith.addf %scan3A_220, %add3A_260 : vector<16xf32>
        scf.yield %add3A_261 : vector<16xf32>
      }
      %scan3A_217 = arith.constant 2 : i32
      "tpu.region"() ({
        %run_scoped3A = tpu.sem_alloc : memref<!tpu.dma_semaphore, #tpu.memory_space<semaphore_mem>>
        %dma_start3A_219 = arith.constant 0 : i32
        %dma_start3A_220 = tpu.memref_slice %arg14[%dma_start3A_219] : memref<2560xf32, #tpu.memory_space<vmem>> -> memref<160xf32, #tpu.memory_space<vmem>>
        %dma_start3A_221 = arith.constant 99840 : i32
        %dma_start3A_222 = tpu.memref_slice %arg7[%dma_start3A_221] : memref<100000xf32, #tpu.memory_space<vmem_shared>> -> memref<160xf32, #tpu.memory_space<vmem_shared>>
        %dma_start3A_223 = arith.constant 99840 : i32
        %dma_start3A_224 = tpu.memref_slice %arg7[%dma_start3A_223] : memref<100000xf32, #tpu.memory_space<vmem_shared>> -> memref<160xf32, #tpu.memory_space<vmem_shared>>
        %dma_start3A_225 = arith.constant 0 : i32
        %dma_start3A_226 = tpu.memref_slice %arg14[%dma_start3A_225] : memref<2560xf32, #tpu.memory_space<vmem>> -> memref<160xf32, #tpu.memory_space<vmem>>
        tpu.enqueue_dma source(%dma_start3A_226 : memref<160xf32, #tpu.memory_space<vmem>>) target(%dma_start3A_224 : memref<160xf32, #tpu.memory_space<vmem_shared>>) target_semaphore(%run_scoped3A : memref<!tpu.dma_semaphore, #tpu.memory_space<semaphore_mem>>)
        %dma_wait3A = arith.constant 0 : i32
        %dma_wait3A_227 = tpu.memref_slice %arg14[%dma_wait3A] : memref<2560xf32, #tpu.memory_space<vmem>> -> memref<160xf32, #tpu.memory_space<vmem>>
        %dma_wait3A_228 = arith.constant 99840 : i32
        %dma_wait3A_229 = tpu.memref_slice %arg7[%dma_wait3A_228] : memref<100000xf32, #tpu.memory_space<vmem_shared>> -> memref<160xf32, #tpu.memory_space<vmem_shared>>
        %dma_wait3A_230 = arith.constant 99840 : i32
        %dma_wait3A_231 = tpu.memref_slice %arg7[%dma_wait3A_230] : memref<100000xf32, #tpu.memory_space<vmem_shared>> -> memref<160xf32, #tpu.memory_space<vmem_shared>>
        %dma_wait3A_232 = arith.constant 0 : i32
        %dma_wait3A_233 = tpu.memref_slice %arg14[%dma_wait3A_232] : memref<2560xf32, #tpu.memory_space<vmem>> -> memref<160xf32, #tpu.memory_space<vmem>>
        tpu.wait_dma2 semaphore(%run_scoped3A : memref<!tpu.dma_semaphore, #tpu.memory_space<semaphore_mem>>) src(%dma_wait3A_233 : memref<160xf32, #tpu.memory_space<vmem>>) dst(%dma_wait3A_231 : memref<160xf32, #tpu.memory_space<vmem_shared>>)
        tpu.yield
      }) : () -> ()
      %add3A_218 = arith.addf %add3A_39, %scan3A_216 : vector<16xf32>
      scf.yield %add3A_218 : vector<16xf32>
    } else {
      scf.yield %add3A_39 : vector<16xf32>
    }
    %swap3A = arith.constant 0 : index
    %swap3A_50 = tpu.vector_load %arg14[%swap3A] {strides = array<i32>} : memref<2560xf32, #tpu.memory_space<vmem>>, vector<16xf32>,
    tpu.vector_store %arg14[%swap3A], %cond3A_49 {strides = array<i32>} : memref<2560xf32, #tpu.memory_space<vmem>>, vector<16xf32>,
    %mul3A_51 = arith.constant 16 : i32
    %mul3A_52 = arith.muli %arg1, %mul3A_51 : i32
    %multiple_of3A_53 = tpu.assume_multiple %mul3A_52, 8 : i32
    "tpu.region"() ({
      %run_scoped3A = tpu.sem_alloc : memref<!tpu.dma_semaphore, #tpu.memory_space<semaphore_mem>>
      %dma_start3A_210 = arith.constant 0 : i32
      %dma_start3A_211 = tpu.memref_slice %arg14[%dma_start3A_210] : memref<2560xf32, #tpu.memory_space<vmem>> -> memref<16xf32, #tpu.memory_space<vmem>>
      %dma_start3A_212 = tpu.memref_slice %arg8[%multiple_of3A_53] : memref<256xf32, #tpu.memory_space<vmem_shared>> -> memref<16xf32, #tpu.memory_space<vmem_shared>>
      %dma_start3A_213 = tpu.memref_slice %arg8[%multiple_of3A_53] : memref<256xf32, #tpu.memory_space<vmem_shared>> -> memref<16xf32, #tpu.memory_space<vmem_shared>>
      %dma_start3A_214 = arith.constant 0 : i32
      %dma_start3A_215 = tpu.memref_slice %arg14[%dma_start3A_214] : memref<2560xf32, #tpu.memory_space<vmem>> -> memref<16xf32, #tpu.memory_space<vmem>>
      tpu.enqueue_dma source(%dma_start3A_215 : memref<16xf32, #tpu.memory_space<vmem>>) target(%dma_start3A_213 : memref<16xf32, #tpu.memory_space<vmem_shared>>) target_semaphore(%run_scoped3A : memref<!tpu.dma_semaphore, #tpu.memory_space<semaphore_mem>>)
      %dma_wait3A = arith.constant 0 : i32
      %dma_wait3A_216 = tpu.memref_slice %arg14[%dma_wait3A] : memref<2560xf32, #tpu.memory_space<vmem>> -> memref<16xf32, #tpu.memory_space<vmem>>
      %dma_wait3A_217 = tpu.memref_slice %arg8[%multiple_of3A_53] : memref<256xf32, #tpu.memory_space<vmem_shared>> -> memref<16xf32, #tpu.memory_space<vmem_shared>>
      %dma_wait3A_218 = tpu.memref_slice %arg8[%multiple_of3A_53] : memref<256xf32, #tpu.memory_space<vmem_shared>> -> memref<16xf32, #tpu.memory_space<vmem_shared>>
      %dma_wait3A_219 = arith.constant 0 : i32
      %dma_wait3A_220 = tpu.memref_slice %arg14[%dma_wait3A_219] : memref<2560xf32, #tpu.memory_space<vmem>> -> memref<16xf32, #tpu.memory_space<vmem>>
      tpu.wait_dma2 semaphore(%run_scoped3A : memref<!tpu.dma_semaphore, #tpu.memory_space<semaphore_mem>>) src(%dma_wait3A_220 : memref<16xf32, #tpu.memory_space<vmem>>) dst(%dma_wait3A_218 : memref<16xf32, #tpu.memory_space<vmem_shared>>)
      tpu.yield
    }) : () -> ()
    %barrier3A = arith.constant 0 : index
    tpu.barrier barrier_id(%barrier3A)
    "tpu.region"() ({
      %run_scoped3A = tpu.sem_alloc : memref<!tpu.dma_semaphore, #tpu.memory_space<semaphore_mem>>
      tpu.enqueue_dma source(%arg7 : memref<100000xf32, #tpu.memory_space<vmem_shared>>) target(%arg6 : memref<100000xf32, #tpu.memory_space<vmem>>) target_semaphore(%run_scoped3A : memref<!tpu.dma_semaphore, #tpu.memory_space<semaphore_mem>>)
      tpu.wait_dma2 semaphore(%run_scoped3A : memref<!tpu.dma_semaphore, #tpu.memory_space<semaphore_mem>>) src(%arg7 : memref<100000xf32, #tpu.memory_space<vmem_shared>>) dst(%arg6 : memref<100000xf32, #tpu.memory_space<vmem>>)
      tpu.yield
    }) : () -> ()
    "tpu.region"() ({
      %run_scoped3A = tpu.sem_alloc : memref<!tpu.dma_semaphore, #tpu.memory_space<semaphore_mem>>
      %dma_start3A_210 = arith.constant 0 : i32
      %dma_start3A_211 = tpu.memref_slice %arg15[%dma_start3A_210] : memref<2560xf32, #tpu.memory_space<vmem>> -> memref<256xf32, #tpu.memory_space<vmem>>
      %dma_start3A_212 = arith.constant 0 : i32
      %dma_start3A_213 = tpu.memref_slice %arg15[%dma_start3A_212] : memref<2560xf32, #tpu.memory_space<vmem>> -> memref<256xf32, #tpu.memory_space<vmem>>
      tpu.enqueue_dma source(%arg8 : memref<256xf32, #tpu.memory_space<vmem_shared>>) target(%dma_start3A_213 : memref<256xf32, #tpu.memory_space<vmem>>) target_semaphore(%run_scoped3A : memref<!tpu.dma_semaphore, #tpu.memory_space<semaphore_mem>>)
      %dma_wait3A = arith.constant 0 : i32
      %dma_wait3A_214 = tpu.memref_slice %arg15[%dma_wait3A] : memref<2560xf32, #tpu.memory_space<vmem>> -> memref<256xf32, #tpu.memory_space<vmem>>
      %dma_wait3A_215 = arith.constant 0 : i32
      %dma_wait3A_216 = tpu.memref_slice %arg15[%dma_wait3A_215] : memref<2560xf32, #tpu.memory_space<vmem>> -> memref<256xf32, #tpu.memory_space<vmem>>
      tpu.wait_dma2 semaphore(%run_scoped3A : memref<!tpu.dma_semaphore, #tpu.memory_space<semaphore_mem>>) src(%arg8 : memref<256xf32, #tpu.memory_space<vmem_shared>>) dst(%dma_wait3A_216 : memref<256xf32, #tpu.memory_space<vmem>>)
      tpu.yield
    }) : () -> ()
    %broadcast_in_dim3A_54 = arith.constant 0.000000e+00 : f32
    %broadcast_in_dim3A_55 = vector.broadcast %broadcast_in_dim3A_54 : f32 to vector<16xf32>
    %get3A = arith.constant 0 : index
    %get3A_56 = tpu.vector_load %arg15[%get3A] {strides = array<i32>} : memref<2560xf32, #tpu.memory_space<vmem>>, vector<16xf32>,
    %add3A_57 = arith.addf %broadcast_in_dim3A_55, %get3A_56 : vector<16xf32>
    %get3A_58 = arith.constant 16 : index
    %get3A_59 = tpu.vector_load %arg15[%get3A_58] {strides = array<i32>} : memref<2560xf32, #tpu.memory_space<vmem>>, vector<16xf32>,
    %add3A_60 = arith.addf %add3A_57, %get3A_59 : vector<16xf32>
    %get3A_61 = arith.constant 32 : index
    %get3A_62 = tpu.vector_load %arg15[%get3A_61] {strides = array<i32>} : memref<2560xf32, #tpu.memory_space<vmem>>, vector<16xf32>,
    %add3A_63 = arith.addf %add3A_60, %get3A_62 : vector<16xf32>
    %get3A_64 = arith.constant 48 : index
    %get3A_65 = tpu.vector_load %arg15[%get3A_64] {strides = array<i32>} : memref<2560xf32, #tpu.memory_space<vmem>>, vector<16xf32>,
    %add3A_66 = arith.addf %add3A_63, %get3A_65 : vector<16xf32>
    %get3A_67 = arith.constant 64 : index
    %get3A_68 = tpu.vector_load %arg15[%get3A_67] {strides = array<i32>} : memref<2560xf32, #tpu.memory_space<vmem>>, vector<16xf32>,
    %add3A_69 = arith.addf %add3A_66, %get3A_68 : vector<16xf32>
    %get3A_70 = arith.constant 80 : index
    %get3A_71 = tpu.vector_load %arg15[%get3A_70] {strides = array<i32>} : memref<2560xf32, #tpu.memory_space<vmem>>, vector<16xf32>,
    %add3A_72 = arith.addf %add3A_69, %get3A_71 : vector<16xf32>
    %get3A_73 = arith.constant 96 : index
    %get3A_74 = tpu.vector_load %arg15[%get3A_73] {strides = array<i32>} : memref<2560xf32, #tpu.memory_space<vmem>>, vector<16xf32>,
    %add3A_75 = arith.addf %add3A_72, %get3A_74 : vector<16xf32>
    %get3A_76 = arith.constant 112 : index
    %get3A_77 = tpu.vector_load %arg15[%get3A_76] {strides = array<i32>} : memref<2560xf32, #tpu.memory_space<vmem>>, vector<16xf32>,
    %add3A_78 = arith.addf %add3A_75, %get3A_77 : vector<16xf32>
    %get3A_79 = arith.constant 128 : index
    %get3A_80 = tpu.vector_load %arg15[%get3A_79] {strides = array<i32>} : memref<2560xf32, #tpu.memory_space<vmem>>, vector<16xf32>,
    %add3A_81 = arith.addf %add3A_78, %get3A_80 : vector<16xf32>
    %get3A_82 = arith.constant 144 : index
    %get3A_83 = tpu.vector_load %arg15[%get3A_82] {strides = array<i32>} : memref<2560xf32, #tpu.memory_space<vmem>>, vector<16xf32>,
    %add3A_84 = arith.addf %add3A_81, %get3A_83 : vector<16xf32>
    %get3A_85 = arith.constant 160 : index
    %get3A_86 = tpu.vector_load %arg15[%get3A_85] {strides = array<i32>} : memref<2560xf32, #tpu.memory_space<vmem>>, vector<16xf32>,
    %add3A_87 = arith.addf %add3A_84, %get3A_86 : vector<16xf32>
    %get3A_88 = arith.constant 176 : index
    %get3A_89 = tpu.vector_load %arg15[%get3A_88] {strides = array<i32>} : memref<2560xf32, #tpu.memory_space<vmem>>, vector<16xf32>,
    %add3A_90 = arith.addf %add3A_87, %get3A_89 : vector<16xf32>
    %get3A_91 = arith.constant 192 : index
    %get3A_92 = tpu.vector_load %arg15[%get3A_91] {strides = array<i32>} : memref<2560xf32, #tpu.memory_space<vmem>>, vector<16xf32>,
    %add3A_93 = arith.addf %add3A_90, %get3A_92 : vector<16xf32>
    %get3A_94 = arith.constant 208 : index
    %get3A_95 = tpu.vector_load %arg15[%get3A_94] {strides = array<i32>} : memref<2560xf32, #tpu.memory_space<vmem>>, vector<16xf32>,
    %add3A_96 = arith.addf %add3A_93, %get3A_95 : vector<16xf32>
    %get3A_97 = arith.constant 224 : index
    %get3A_98 = tpu.vector_load %arg15[%get3A_97] {strides = array<i32>} : memref<2560xf32, #tpu.memory_space<vmem>>, vector<16xf32>,
    %add3A_99 = arith.addf %add3A_96, %get3A_98 : vector<16xf32>
    %get3A_100 = arith.constant 240 : index
    %get3A_101 = tpu.vector_load %arg15[%get3A_100] {strides = array<i32>} : memref<2560xf32, #tpu.memory_space<vmem>>, vector<16xf32>,
    %add3A_102 = arith.addf %add3A_99, %get3A_101 : vector<16xf32>
    %reduce_sum3A = arith.constant true
    %reduce_sum3A_103 = vector.broadcast %reduce_sum3A : i1 to vector<16xi1>
    %reduce_sum3A_104 = tpu.scan <sum>, %add3A_102 masked %reduce_sum3A_103 : vector<16xf32>, vector<16xi1> -> vector<16xf32>
    %reduce_sum3A_105 = vector.extract %reduce_sum3A_104[15] : f32 from vector<16xf32>
    %mul3A_106 = arith.constant 9.99999974E-6 : f32
    %mul3A_107 = arith.mulf %reduce_sum3A_105, %mul3A_106 : f32
    %broadcast_in_dim3A_108 = vector.broadcast %mul3A_107 : f32 to vector<16xf32>
    %add3A_109 = arith.constant 0 : i32
    %add3A_110 = arith.addi %add3A, %add3A_109 : i32
    %mul3A_111 = arith.constant 2560 : i32
    %mul3A_112 = arith.muli %add3A_110, %mul3A_111 : i32
    %multiple_of3A_113 = tpu.assume_multiple %mul3A_112, 2560 : i32
    %dma_start3A = arith.constant 0 : i32
    %dma_start3A_114 = arith.constant 0 : i32
    %dma_start3A_115 = tpu.memref_slice %arg3[%dma_start3A, %multiple_of3A_113] : memref<2x6400000xi32, #tpu.memory_space<hbm>> -> memref<1x2560xi32, #tpu.memory_space<hbm>>
    %dma_start3A_116 = tpu.memref_squeeze %dma_start3A_115 : memref<1x2560xi32, #tpu.memory_space<hbm>> -> memref<2560xi32, #tpu.memory_space<hbm>>
    %dma_start3A_117 = tpu.memref_slice %arg16[%dma_start3A_114] : memref<2x!tpu.dma_semaphore, #tpu.memory_space<semaphore_mem>> -> memref<1x!tpu.dma_semaphore, #tpu.memory_space<semaphore_mem>>
    %dma_start3A_118 = tpu.memref_squeeze %dma_start3A_117 : memref<1x!tpu.dma_semaphore, #tpu.memory_space<semaphore_mem>> -> memref<!tpu.dma_semaphore, #tpu.memory_space<semaphore_mem>>
    %dma_start3A_119 = tpu.memref_slice %arg3[%dma_start3A, %multiple_of3A_113] : memref<2x6400000xi32, #tpu.memory_space<hbm>> -> memref<1x2560xi32, #tpu.memory_space<hbm>>
    %dma_start3A_120 = tpu.memref_squeeze %dma_start3A_119 : memref<1x2560xi32, #tpu.memory_space<hbm>> -> memref<2560xi32, #tpu.memory_space<hbm>>
    tpu.enqueue_dma source(%dma_start3A_120 : memref<2560xi32, #tpu.memory_space<hbm>>) target(%arg10 : memref<2560xi32, #tpu.memory_space<vmem>>) target_semaphore(%dma_start3A_118 : memref<!tpu.dma_semaphore, #tpu.memory_space<semaphore_mem>>)
    %dma_start3A_121 = arith.constant 1 : i32
    %dma_start3A_122 = arith.constant 0 : i32
    %dma_start3A_123 = tpu.memref_slice %arg3[%dma_start3A_121, %multiple_of3A_113] : memref<2x6400000xi32, #tpu.memory_space<hbm>> -> memref<1x2560xi32, #tpu.memory_space<hbm>>
    %dma_start3A_124 = tpu.memref_squeeze %dma_start3A_123 : memref<1x2560xi32, #tpu.memory_space<hbm>> -> memref<2560xi32, #tpu.memory_space<hbm>>
    %dma_start3A_125 = tpu.memref_slice %arg16[%dma_start3A_122] : memref<2x!tpu.dma_semaphore, #tpu.memory_space<semaphore_mem>> -> memref<1x!tpu.dma_semaphore, #tpu.memory_space<semaphore_mem>>
    %dma_start3A_126 = tpu.memref_squeeze %dma_start3A_125 : memref<1x!tpu.dma_semaphore, #tpu.memory_space<semaphore_mem>> -> memref<!tpu.dma_semaphore, #tpu.memory_space<semaphore_mem>>
    %dma_start3A_127 = tpu.memref_slice %arg3[%dma_start3A_121, %multiple_of3A_113] : memref<2x6400000xi32, #tpu.memory_space<hbm>> -> memref<1x2560xi32, #tpu.memory_space<hbm>>
    %dma_start3A_128 = tpu.memref_squeeze %dma_start3A_127 : memref<1x2560xi32, #tpu.memory_space<hbm>> -> memref<2560xi32, #tpu.memory_space<hbm>>
    tpu.enqueue_dma source(%dma_start3A_128 : memref<2560xi32, #tpu.memory_space<hbm>>) target(%arg12 : memref<2560xi32, #tpu.memory_space<vmem>>) target_semaphore(%dma_start3A_126 : memref<!tpu.dma_semaphore, #tpu.memory_space<semaphore_mem>>)
    %add3A_129 = arith.constant 32 : i32
    %add3A_130 = arith.addi %add3A, %add3A_129 : i32
    %mul3A_131 = arith.constant 2560 : i32
    %mul3A_132 = arith.muli %add3A_130, %mul3A_131 : i32
    %multiple_of3A_133 = tpu.assume_multiple %mul3A_132, 2560 : i32
    %dma_start3A_134 = arith.constant 0 : i32
    %dma_start3A_135 = arith.constant 1 : i32
    %dma_start3A_136 = tpu.memref_slice %arg3[%dma_start3A_134, %multiple_of3A_133] : memref<2x6400000xi32, #tpu.memory_space<hbm>> -> memref<1x2560xi32, #tpu.memory_space<hbm>>
    %dma_start3A_137 = tpu.memref_squeeze %dma_start3A_136 : memref<1x2560xi32, #tpu.memory_space<hbm>> -> memref<2560xi32, #tpu.memory_space<hbm>>
    %dma_start3A_138 = tpu.memref_slice %arg16[%dma_start3A_135] : memref<2x!tpu.dma_semaphore, #tpu.memory_space<semaphore_mem>> -> memref<1x!tpu.dma_semaphore, #tpu.memory_space<semaphore_mem>>
    %dma_start3A_139 = tpu.memref_squeeze %dma_start3A_138 : memref<1x!tpu.dma_semaphore, #tpu.memory_space<semaphore_mem>> -> memref<!tpu.dma_semaphore, #tpu.memory_space<semaphore_mem>>
    %dma_start3A_140 = tpu.memref_slice %arg3[%dma_start3A_134, %multiple_of3A_133] : memref<2x6400000xi32, #tpu.memory_space<hbm>> -> memref<1x2560xi32, #tpu.memory_space<hbm>>
    %dma_start3A_141 = tpu.memref_squeeze %dma_start3A_140 : memref<1x2560xi32, #tpu.memory_space<hbm>> -> memref<2560xi32, #tpu.memory_space<hbm>>
    tpu.enqueue_dma source(%dma_start3A_141 : memref<2560xi32, #tpu.memory_space<hbm>>) target(%arg11 : memref<2560xi32, #tpu.memory_space<vmem>>) target_semaphore(%dma_start3A_139 : memref<!tpu.dma_semaphore, #tpu.memory_space<semaphore_mem>>)
    %dma_start3A_142 = arith.constant 1 : i32
    %dma_start3A_143 = arith.constant 1 : i32
    %dma_start3A_144 = tpu.memref_slice %arg3[%dma_start3A_142, %multiple_of3A_133] : memref<2x6400000xi32, #tpu.memory_space<hbm>> -> memref<1x2560xi32, #tpu.memory_space<hbm>>
    %dma_start3A_145 = tpu.memref_squeeze %dma_start3A_144 : memref<1x2560xi32, #tpu.memory_space<hbm>> -> memref<2560xi32, #tpu.memory_space<hbm>>
    %dma_start3A_146 = tpu.memref_slice %arg16[%dma_start3A_143] : memref<2x!tpu.dma_semaphore, #tpu.memory_space<semaphore_mem>> -> memref<1x!tpu.dma_semaphore, #tpu.memory_space<semaphore_mem>>
    %dma_start3A_147 = tpu.memref_squeeze %dma_start3A_146 : memref<1x!tpu.dma_semaphore, #tpu.memory_space<semaphore_mem>> -> memref<!tpu.dma_semaphore, #tpu.memory_space<semaphore_mem>>
    %dma_start3A_148 = tpu.memref_slice %arg3[%dma_start3A_142, %multiple_of3A_133] : memref<2x6400000xi32, #tpu.memory_space<hbm>> -> memref<1x2560xi32, #tpu.memory_space<hbm>>
    %dma_start3A_149 = tpu.memref_squeeze %dma_start3A_148 : memref<1x2560xi32, #tpu.memory_space<hbm>> -> memref<2560xi32, #tpu.memory_space<hbm>>
    tpu.enqueue_dma source(%dma_start3A_149 : memref<2560xi32, #tpu.memory_space<hbm>>) target(%arg13 : memref<2560xi32, #tpu.memory_space<vmem>>) target_semaphore(%dma_start3A_147 : memref<!tpu.dma_semaphore, #tpu.memory_space<semaphore_mem>>)
    %scan3A_150 = arith.constant 0 : i32
    %scan3A_151 = arith.constant 0 : i32
    %scan3A_152 = arith.constant 40 : i32
    %scan3A_153 = arith.addi %scan3A_151, %scan3A_152 : i32
    %scan3A_154 = arith.constant 1 : i32
    %scan3A_155 = scf.for %scan3A_210 = %scan3A_151 to %scan3A_153 step %scan3A_154 iter_args(%scan3A_211 = %scan3A_150) -> (i32)  : i32 {
      %mul3A_212 = arith.constant 2 : i32
      %mul3A_213 = arith.muli %scan3A_210, %mul3A_212 : i32
      %add3A_214 = arith.constant 0 : i32
      %add3A_215 = arith.addi %mul3A_213, %add3A_214 : i32
      %mul3A_216 = arith.constant 32 : i32
      %mul3A_217 = arith.muli %mul3A_216, %add3A_215 : i32
      %add3A_218 = arith.addi %add3A, %mul3A_217 : i32
      %lt3A_219 = arith.constant 2500 : i32
      %lt3A_220 = arith.cmpi slt, %add3A_218, %lt3A_219 : i32
      %convert_element_type3A_221 = arith.extui %lt3A_220 : i1 to i32
      %cond3A_222 = arith.constant 0 : i32
      %cond3A_223 = arith.cmpi ne, %convert_element_type3A_221, %cond3A_222 : i32
      scf.if %cond3A_223 {
        %mul3A_237 = arith.constant 32 : i32
        %mul3A_238 = arith.muli %mul3A_237, %add3A_215 : i32
        %add3A_239 = arith.addi %add3A, %mul3A_238 : i32
        %mul3A_240 = arith.constant 2560 : i32
        %mul3A_241 = arith.muli %add3A_239, %mul3A_240 : i32
        %multiple_of3A_242 = tpu.assume_multiple %mul3A_241, 2560 : i32
        %dma_wait3A = arith.constant 0 : i32
        %dma_wait3A_243 = arith.constant 0 : i32
        %dma_wait3A_244 = tpu.memref_slice %arg3[%dma_wait3A, %multiple_of3A_242] : memref<2x6400000xi32, #tpu.memory_space<hbm>> -> memref<1x2560xi32, #tpu.memory_space<hbm>>
        %dma_wait3A_245 = tpu.memref_squeeze %dma_wait3A_244 : memref<1x2560xi32, #tpu.memory_space<hbm>> -> memref<2560xi32, #tpu.memory_space<hbm>>
        %dma_wait3A_246 = tpu.memref_slice %arg16[%dma_wait3A_243] : memref<2x!tpu.dma_semaphore, #tpu.memory_space<semaphore_mem>> -> memref<1x!tpu.dma_semaphore, #tpu.memory_space<semaphore_mem>>
        %dma_wait3A_247 = tpu.memref_squeeze %dma_wait3A_246 : memref<1x!tpu.dma_semaphore, #tpu.memory_space<semaphore_mem>> -> memref<!tpu.dma_semaphore, #tpu.memory_space<semaphore_mem>>
        %dma_wait3A_248 = tpu.memref_slice %arg3[%dma_wait3A, %multiple_of3A_242] : memref<2x6400000xi32, #tpu.memory_space<hbm>> -> memref<1x2560xi32, #tpu.memory_space<hbm>>
        %dma_wait3A_249 = tpu.memref_squeeze %dma_wait3A_248 : memref<1x2560xi32, #tpu.memory_space<hbm>> -> memref<2560xi32, #tpu.memory_space<hbm>>
        tpu.wait_dma2 semaphore(%dma_wait3A_247 : memref<!tpu.dma_semaphore, #tpu.memory_space<semaphore_mem>>) src(%dma_wait3A_249 : memref<2560xi32, #tpu.memory_space<hbm>>) dst(%arg10 : memref<2560xi32, #tpu.memory_space<vmem>>)
        %dma_wait3A_250 = arith.constant 1 : i32
        %dma_wait3A_251 = arith.constant 0 : i32
        %dma_wait3A_252 = tpu.memref_slice %arg3[%dma_wait3A_250, %multiple_of3A_242] : memref<2x6400000xi32, #tpu.memory_space<hbm>> -> memref<1x2560xi32, #tpu.memory_space<hbm>>
        %dma_wait3A_253 = tpu.memref_squeeze %dma_wait3A_252 : memref<1x2560xi32, #tpu.memory_space<hbm>> -> memref<2560xi32, #tpu.memory_space<hbm>>
        %dma_wait3A_254 = tpu.memref_slice %arg16[%dma_wait3A_251] : memref<2x!tpu.dma_semaphore, #tpu.memory_space<semaphore_mem>> -> memref<1x!tpu.dma_semaphore, #tpu.memory_space<semaphore_mem>>
        %dma_wait3A_255 = tpu.memref_squeeze %dma_wait3A_254 : memref<1x!tpu.dma_semaphore, #tpu.memory_space<semaphore_mem>> -> memref<!tpu.dma_semaphore, #tpu.memory_space<semaphore_mem>>
        %dma_wait3A_256 = tpu.memref_slice %arg3[%dma_wait3A_250, %multiple_of3A_242] : memref<2x6400000xi32, #tpu.memory_space<hbm>> -> memref<1x2560xi32, #tpu.memory_space<hbm>>
        %dma_wait3A_257 = tpu.memref_squeeze %dma_wait3A_256 : memref<1x2560xi32, #tpu.memory_space<hbm>> -> memref<2560xi32, #tpu.memory_space<hbm>>
        tpu.wait_dma2 semaphore(%dma_wait3A_255 : memref<!tpu.dma_semaphore, #tpu.memory_space<semaphore_mem>>) src(%dma_wait3A_257 : memref<2560xi32, #tpu.memory_space<hbm>>) dst(%arg12 : memref<2560xi32, #tpu.memory_space<vmem>>)
        %gt3A = arith.constant 0 : i32
        %gt3A_258 = arith.cmpi sgt, %scan3A_210, %gt3A : i32
        %convert_element_type3A_259 = arith.extui %gt3A_258 : i1 to i32
        %cond3A_260 = arith.constant 0 : i32
        %cond3A_261 = arith.cmpi ne, %convert_element_type3A_259, %cond3A_260 : i32
        scf.if %cond3A_261 {
          %sub3A = arith.constant 2 : i32
          %sub3A_290 = arith.subi %add3A_215, %sub3A : i32
          %mul3A_291 = arith.constant 32 : i32
          %mul3A_292 = arith.muli %mul3A_291, %sub3A_290 : i32
          %add3A_293 = arith.addi %add3A, %mul3A_292 : i32
          %mul3A_294 = arith.constant 2560 : i32
          %mul3A_295 = arith.muli %add3A_293, %mul3A_294 : i32
          %multiple_of3A_296 = tpu.assume_multiple %mul3A_295, 2560 : i32
          %dma_wait3A_297 = arith.constant 0 : i32
          %dma_wait3A_298 = tpu.memref_slice %arg5[%multiple_of3A_296] : memref<6400000xf32, #tpu.memory_space<hbm>> -> memref<2560xf32, #tpu.memory_space<hbm>>
          %dma_wait3A_299 = tpu.memref_slice %arg17[%dma_wait3A_297] : memref<2x!tpu.dma_semaphore, #tpu.memory_space<semaphore_mem>> -> memref<1x!tpu.dma_semaphore, #tpu.memory_space<semaphore_mem>>
          %dma_wait3A_300 = tpu.memref_squeeze %dma_wait3A_299 : memref<1x!tpu.dma_semaphore, #tpu.memory_space<semaphore_mem>> -> memref<!tpu.dma_semaphore, #tpu.memory_space<semaphore_mem>>
          %dma_wait3A_301 = tpu.memref_slice %arg5[%multiple_of3A_296] : memref<6400000xf32, #tpu.memory_space<hbm>> -> memref<2560xf32, #tpu.memory_space<hbm>>
          tpu.wait_dma2 semaphore(%dma_wait3A_300 : memref<!tpu.dma_semaphore, #tpu.memory_space<semaphore_mem>>) src(%arg14 : memref<2560xf32, #tpu.memory_space<vmem>>) dst(%dma_wait3A_301 : memref<2560xf32, #tpu.memory_space<hbm>>)
        } else {
        }
        %scan3A_262 = arith.constant 0 : i32
        %scan3A_263 = arith.constant 0 : i32
        %scan3A_264 = arith.constant 32 : i32
        %scan3A_265 = arith.addi %scan3A_263, %scan3A_264 : i32
        %scan3A_266 = arith.constant 1 : i32
        %scan3A_267 = scf.for %scan3A_290 = %scan3A_263 to %scan3A_265 step %scan3A_266 iter_args(%scan3A_291 = %scan3A_262) -> (i32)  : i32 {
          %mul3A_292 = arith.constant 80 : i32
          %mul3A_293 = arith.muli %scan3A_290, %mul3A_292 : i32
          %add3A_294 = arith.constant 0 : i32
          %add3A_295 = arith.addi %mul3A_293, %add3A_294 : i32
          %add3A_296 = arith.constant 16 : i32
          %add3A_297 = arith.addi %mul3A_293, %add3A_296 : i32
          %add3A_298 = arith.constant 32 : i32
          %add3A_299 = arith.addi %mul3A_293, %add3A_298 : i32
          %add3A_300 = arith.constant 48 : i32
          %add3A_301 = arith.addi %mul3A_293, %add3A_300 : i32
          %add3A_302 = arith.constant 64 : i32
          %add3A_303 = arith.addi %mul3A_293, %add3A_302 : i32
          %get3A_304 = arith.index_cast %add3A_295 : i32 to index
          %get3A_305 = tpu.vector_load %arg10[%get3A_304] {strides = array<i32>} : memref<2560xi32, #tpu.memory_space<vmem>>, vector<16xi32>,
          %get3A_306 = arith.index_cast %add3A_297 : i32 to index
          %get3A_307 = tpu.vector_load %arg10[%get3A_306] {strides = array<i32>} : memref<2560xi32, #tpu.memory_space<vmem>>, vector<16xi32>,
          %get3A_308 = arith.index_cast %add3A_299 : i32 to index
          %get3A_309 = tpu.vector_load %arg10[%get3A_308] {strides = array<i32>} : memref<2560xi32, #tpu.memory_space<vmem>>, vector<16xi32>,
          %get3A_310 = arith.index_cast %add3A_301 : i32 to index
          %get3A_311 = tpu.vector_load %arg10[%get3A_310] {strides = array<i32>} : memref<2560xi32, #tpu.memory_space<vmem>>, vector<16xi32>,
          %get3A_312 = arith.index_cast %add3A_303 : i32 to index
          %get3A_313 = tpu.vector_load %arg10[%get3A_312] {strides = array<i32>} : memref<2560xi32, #tpu.memory_space<vmem>>, vector<16xi32>,
          %get3A_314 = arith.index_cast %add3A_295 : i32 to index
          %get3A_315 = tpu.vector_load %arg12[%get3A_314] {strides = array<i32>} : memref<2560xi32, #tpu.memory_space<vmem>>, vector<16xi32>,
          %get3A_316 = arith.index_cast %add3A_297 : i32 to index
          %get3A_317 = tpu.vector_load %arg12[%get3A_316] {strides = array<i32>} : memref<2560xi32, #tpu.memory_space<vmem>>, vector<16xi32>,
          %get3A_318 = arith.index_cast %add3A_299 : i32 to index
          %get3A_319 = tpu.vector_load %arg12[%get3A_318] {strides = array<i32>} : memref<2560xi32, #tpu.memory_space<vmem>>, vector<16xi32>,
          %get3A_320 = arith.index_cast %add3A_301 : i32 to index
          %get3A_321 = tpu.vector_load %arg12[%get3A_320] {strides = array<i32>} : memref<2560xi32, #tpu.memory_space<vmem>>, vector<16xi32>,
          %get3A_322 = arith.index_cast %add3A_303 : i32 to index
          %get3A_323 = tpu.vector_load %arg12[%get3A_322] {strides = array<i32>} : memref<2560xi32, #tpu.memory_space<vmem>>, vector<16xi32>,
          %gather3A = tpu.vector_load_idx %arg6[%get3A_305] : memref<100000xf32, #tpu.memory_space<vmem>>[vector<16xi32>], vector<16xf32>,
          %gather3A_324 = tpu.vector_load_idx %arg6[%get3A_307] : memref<100000xf32, #tpu.memory_space<vmem>>[vector<16xi32>], vector<16xf32>,
          %gather3A_325 = tpu.vector_load_idx %arg6[%get3A_309] : memref<100000xf32, #tpu.memory_space<vmem>>[vector<16xi32>], vector<16xf32>,
          %gather3A_326 = tpu.vector_load_idx %arg6[%get3A_311] : memref<100000xf32, #tpu.memory_space<vmem>>[vector<16xi32>], vector<16xf32>,
          %gather3A_327 = tpu.vector_load_idx %arg6[%get3A_313] : memref<100000xf32, #tpu.memory_space<vmem>>[vector<16xi32>], vector<16xf32>,
          %gather3A_328 = tpu.vector_load_idx %arg6[%get3A_315] : memref<100000xf32, #tpu.memory_space<vmem>>[vector<16xi32>], vector<16xf32>,
          %gather3A_329 = tpu.vector_load_idx %arg6[%get3A_317] : memref<100000xf32, #tpu.memory_space<vmem>>[vector<16xi32>], vector<16xf32>,
          %gather3A_330 = tpu.vector_load_idx %arg6[%get3A_319] : memref<100000xf32, #tpu.memory_space<vmem>>[vector<16xi32>], vector<16xf32>,
          %gather3A_331 = tpu.vector_load_idx %arg6[%get3A_321] : memref<100000xf32, #tpu.memory_space<vmem>>[vector<16xi32>], vector<16xf32>,
          %gather3A_332 = tpu.vector_load_idx %arg6[%get3A_323] : memref<100000xf32, #tpu.memory_space<vmem>>[vector<16xi32>], vector<16xf32>,
          %sub3A = arith.subf %gather3A, %broadcast_in_dim3A_108 : vector<16xf32>
          %sub3A_333 = arith.subf %gather3A_328, %broadcast_in_dim3A_108 : vector<16xf32>
          %mul3A_334 = arith.mulf %sub3A, %sub3A_333 : vector<16xf32>
          %sub3A_335 = arith.subf %gather3A_324, %broadcast_in_dim3A_108 : vector<16xf32>
          %sub3A_336 = arith.subf %gather3A_329, %broadcast_in_dim3A_108 : vector<16xf32>
          %mul3A_337 = arith.mulf %sub3A_335, %sub3A_336 : vector<16xf32>
          %sub3A_338 = arith.subf %gather3A_325, %broadcast_in_dim3A_108 : vector<16xf32>
          %sub3A_339 = arith.subf %gather3A_330, %broadcast_in_dim3A_108 : vector<16xf32>
          %mul3A_340 = arith.mulf %sub3A_338, %sub3A_339 : vector<16xf32>
          %sub3A_341 = arith.subf %gather3A_326, %broadcast_in_dim3A_108 : vector<16xf32>
          %sub3A_342 = arith.subf %gather3A_331, %broadcast_in_dim3A_108 : vector<16xf32>
          %mul3A_343 = arith.mulf %sub3A_341, %sub3A_342 : vector<16xf32>
          %sub3A_344 = arith.subf %gather3A_327, %broadcast_in_dim3A_108 : vector<16xf32>
          %sub3A_345 = arith.subf %gather3A_332, %broadcast_in_dim3A_108 : vector<16xf32>
          %mul3A_346 = arith.mulf %sub3A_344, %sub3A_345 : vector<16xf32>
          %swap3A_347 = arith.index_cast %add3A_295 : i32 to index
          %swap3A_348 = tpu.vector_load %arg14[%swap3A_347] {strides = array<i32>} : memref<2560xf32, #tpu.memory_space<vmem>>, vector<16xf32>,
          tpu.vector_store %arg14[%swap3A_347], %mul3A_334 {strides = array<i32>} : memref<2560xf32, #tpu.memory_space<vmem>>, vector<16xf32>,
          %swap3A_349 = arith.index_cast %add3A_297 : i32 to index
          %swap3A_350 = tpu.vector_load %arg14[%swap3A_349] {strides = array<i32>} : memref<2560xf32, #tpu.memory_space<vmem>>, vector<16xf32>,
          tpu.vector_store %arg14[%swap3A_349], %mul3A_337 {strides = array<i32>} : memref<2560xf32, #tpu.memory_space<vmem>>, vector<16xf32>,
          %swap3A_351 = arith.index_cast %add3A_299 : i32 to index
          %swap3A_352 = tpu.vector_load %arg14[%swap3A_351] {strides = array<i32>} : memref<2560xf32, #tpu.memory_space<vmem>>, vector<16xf32>,
          tpu.vector_store %arg14[%swap3A_351], %mul3A_340 {strides = array<i32>} : memref<2560xf32, #tpu.memory_space<vmem>>, vector<16xf32>,
          %swap3A_353 = arith.index_cast %add3A_301 : i32 to index
          %swap3A_354 = tpu.vector_load %arg14[%swap3A_353] {strides = array<i32>} : memref<2560xf32, #tpu.memory_space<vmem>>, vector<16xf32>,
          tpu.vector_store %arg14[%swap3A_353], %mul3A_343 {strides = array<i32>} : memref<2560xf32, #tpu.memory_space<vmem>>, vector<16xf32>,
          %swap3A_355 = arith.index_cast %add3A_303 : i32 to index
          %swap3A_356 = tpu.vector_load %arg14[%swap3A_355] {strides = array<i32>} : memref<2560xf32, #tpu.memory_space<vmem>>, vector<16xf32>,
          tpu.vector_store %arg14[%swap3A_355], %mul3A_346 {strides = array<i32>} : memref<2560xf32, #tpu.memory_space<vmem>>, vector<16xf32>,
          %scan3A_357 = arith.constant 0 : i32
          scf.yield %scan3A_357 : i32
        }
        %scan3A_268 = arith.constant 32 : i32
        %mul3A_269 = arith.constant 32 : i32
        %mul3A_270 = arith.muli %mul3A_269, %add3A_215 : i32
        %add3A_271 = arith.addi %add3A, %mul3A_270 : i32
        %mul3A_272 = arith.constant 2560 : i32
        %mul3A_273 = arith.muli %add3A_271, %mul3A_272 : i32
        %multiple_of3A_274 = tpu.assume_multiple %mul3A_273, 2560 : i32
        %dma_start3A_275 = arith.constant 0 : i32
        %dma_start3A_276 = tpu.memref_slice %arg5[%multiple_of3A_274] : memref<6400000xf32, #tpu.memory_space<hbm>> -> memref<2560xf32, #tpu.memory_space<hbm>>
        %dma_start3A_277 = tpu.memref_slice %arg17[%dma_start3A_275] : memref<2x!tpu.dma_semaphore, #tpu.memory_space<semaphore_mem>> -> memref<1x!tpu.dma_semaphore, #tpu.memory_space<semaphore_mem>>
        %dma_start3A_278 = tpu.memref_squeeze %dma_start3A_277 : memref<1x!tpu.dma_semaphore, #tpu.memory_space<semaphore_mem>> -> memref<!tpu.dma_semaphore, #tpu.memory_space<semaphore_mem>>
        %dma_start3A_279 = tpu.memref_slice %arg5[%multiple_of3A_274] : memref<6400000xf32, #tpu.memory_space<hbm>> -> memref<2560xf32, #tpu.memory_space<hbm>>
        tpu.enqueue_dma source(%arg14 : memref<2560xf32, #tpu.memory_space<vmem>>) target(%dma_start3A_279 : memref<2560xf32, #tpu.memory_space<hbm>>) target_semaphore(%dma_start3A_278 : memref<!tpu.dma_semaphore, #tpu.memory_space<semaphore_mem>>)
        %add3A_280 = arith.constant 2 : i32
        %add3A_281 = arith.addi %add3A_215, %add3A_280 : i32
        %mul3A_282 = arith.constant 32 : i32
        %mul3A_283 = arith.muli %mul3A_282, %add3A_281 : i32
        %add3A_284 = arith.addi %add3A, %mul3A_283 : i32
        %lt3A_285 = arith.constant 2500 : i32
        %lt3A_286 = arith.cmpi slt, %add3A_284, %lt3A_285 : i32
        %convert_element_type3A_287 = arith.extui %lt3A_286 : i1 to i32
        %cond3A_288 = arith.constant 0 : i32
        %cond3A_289 = arith.cmpi ne, %convert_element_type3A_287, %cond3A_288 : i32
        scf.if %cond3A_289 {
          %add3A_290 = arith.constant 2 : i32
          %add3A_291 = arith.addi %add3A_215, %add3A_290 : i32
          %mul3A_292 = arith.constant 32 : i32
          %mul3A_293 = arith.muli %mul3A_292, %add3A_291 : i32
          %add3A_294 = arith.addi %add3A, %mul3A_293 : i32
          %mul3A_295 = arith.constant 2560 : i32
          %mul3A_296 = arith.muli %add3A_294, %mul3A_295 : i32
          %multiple_of3A_297 = tpu.assume_multiple %mul3A_296, 2560 : i32
          %dma_start3A_298 = arith.constant 0 : i32
          %dma_start3A_299 = arith.constant 0 : i32
          %dma_start3A_300 = tpu.memref_slice %arg3[%dma_start3A_298, %multiple_of3A_297] : memref<2x6400000xi32, #tpu.memory_space<hbm>> -> memref<1x2560xi32, #tpu.memory_space<hbm>>
          %dma_start3A_301 = tpu.memref_squeeze %dma_start3A_300 : memref<1x2560xi32, #tpu.memory_space<hbm>> -> memref<2560xi32, #tpu.memory_space<hbm>>
          %dma_start3A_302 = tpu.memref_slice %arg16[%dma_start3A_299] : memref<2x!tpu.dma_semaphore, #tpu.memory_space<semaphore_mem>> -> memref<1x!tpu.dma_semaphore, #tpu.memory_space<semaphore_mem>>
          %dma_start3A_303 = tpu.memref_squeeze %dma_start3A_302 : memref<1x!tpu.dma_semaphore, #tpu.memory_space<semaphore_mem>> -> memref<!tpu.dma_semaphore, #tpu.memory_space<semaphore_mem>>
          %dma_start3A_304 = tpu.memref_slice %arg3[%dma_start3A_298, %multiple_of3A_297] : memref<2x6400000xi32, #tpu.memory_space<hbm>> -> memref<1x2560xi32, #tpu.memory_space<hbm>>
          %dma_start3A_305 = tpu.memref_squeeze %dma_start3A_304 : memref<1x2560xi32, #tpu.memory_space<hbm>> -> memref<2560xi32, #tpu.memory_space<hbm>>
          tpu.enqueue_dma source(%dma_start3A_305 : memref<2560xi32, #tpu.memory_space<hbm>>) target(%arg10 : memref<2560xi32, #tpu.memory_space<vmem>>) target_semaphore(%dma_start3A_303 : memref<!tpu.dma_semaphore, #tpu.memory_space<semaphore_mem>>)
          %dma_start3A_306 = arith.constant 1 : i32
          %dma_start3A_307 = arith.constant 0 : i32
          %dma_start3A_308 = tpu.memref_slice %arg3[%dma_start3A_306, %multiple_of3A_297] : memref<2x6400000xi32, #tpu.memory_space<hbm>> -> memref<1x2560xi32, #tpu.memory_space<hbm>>
          %dma_start3A_309 = tpu.memref_squeeze %dma_start3A_308 : memref<1x2560xi32, #tpu.memory_space<hbm>> -> memref<2560xi32, #tpu.memory_space<hbm>>
          %dma_start3A_310 = tpu.memref_slice %arg16[%dma_start3A_307] : memref<2x!tpu.dma_semaphore, #tpu.memory_space<semaphore_mem>> -> memref<1x!tpu.dma_semaphore, #tpu.memory_space<semaphore_mem>>
          %dma_start3A_311 = tpu.memref_squeeze %dma_start3A_310 : memref<1x!tpu.dma_semaphore, #tpu.memory_space<semaphore_mem>> -> memref<!tpu.dma_semaphore, #tpu.memory_space<semaphore_mem>>
          %dma_start3A_312 = tpu.memref_slice %arg3[%dma_start3A_306, %multiple_of3A_297] : memref<2x6400000xi32, #tpu.memory_space<hbm>> -> memref<1x2560xi32, #tpu.memory_space<hbm>>
          %dma_start3A_313 = tpu.memref_squeeze %dma_start3A_312 : memref<1x2560xi32, #tpu.memory_space<hbm>> -> memref<2560xi32, #tpu.memory_space<hbm>>
          tpu.enqueue_dma source(%dma_start3A_313 : memref<2560xi32, #tpu.memory_space<hbm>>) target(%arg12 : memref<2560xi32, #tpu.memory_space<vmem>>) target_semaphore(%dma_start3A_311 : memref<!tpu.dma_semaphore, #tpu.memory_space<semaphore_mem>>)
        } else {
        }
      } else {
      }
      %mul3A_224 = arith.constant 2 : i32
      %mul3A_225 = arith.muli %scan3A_210, %mul3A_224 : i32
      %add3A_226 = arith.constant 1 : i32
      %add3A_227 = arith.addi %mul3A_225, %add3A_226 : i32
      %mul3A_228 = arith.constant 32 : i32
      %mul3A_229 = arith.muli %mul3A_228, %add3A_227 : i32
      %add3A_230 = arith.addi %add3A, %mul3A_229 : i32
      %lt3A_231 = arith.constant 2500 : i32
      %lt3A_232 = arith.cmpi slt, %add3A_230, %lt3A_231 : i32
      %convert_element_type3A_233 = arith.extui %lt3A_232 : i1 to i32
      %cond3A_234 = arith.constant 0 : i32
      %cond3A_235 = arith.cmpi ne, %convert_element_type3A_233, %cond3A_234 : i32
      scf.if %cond3A_235 {
        %mul3A_237 = arith.constant 32 : i32
        %mul3A_238 = arith.muli %mul3A_237, %add3A_227 : i32
        %add3A_239 = arith.addi %add3A, %mul3A_238 : i32
        %mul3A_240 = arith.constant 2560 : i32
        %mul3A_241 = arith.muli %add3A_239, %mul3A_240 : i32
        %multiple_of3A_242 = tpu.assume_multiple %mul3A_241, 2560 : i32
        %dma_wait3A = arith.constant 0 : i32
        %dma_wait3A_243 = arith.constant 1 : i32
        %dma_wait3A_244 = tpu.memref_slice %arg3[%dma_wait3A, %multiple_of3A_242] : memref<2x6400000xi32, #tpu.memory_space<hbm>> -> memref<1x2560xi32, #tpu.memory_space<hbm>>
        %dma_wait3A_245 = tpu.memref_squeeze %dma_wait3A_244 : memref<1x2560xi32, #tpu.memory_space<hbm>> -> memref<2560xi32, #tpu.memory_space<hbm>>
        %dma_wait3A_246 = tpu.memref_slice %arg16[%dma_wait3A_243] : memref<2x!tpu.dma_semaphore, #tpu.memory_space<semaphore_mem>> -> memref<1x!tpu.dma_semaphore, #tpu.memory_space<semaphore_mem>>
        %dma_wait3A_247 = tpu.memref_squeeze %dma_wait3A_246 : memref<1x!tpu.dma_semaphore, #tpu.memory_space<semaphore_mem>> -> memref<!tpu.dma_semaphore, #tpu.memory_space<semaphore_mem>>
        %dma_wait3A_248 = tpu.memref_slice %arg3[%dma_wait3A, %multiple_of3A_242] : memref<2x6400000xi32, #tpu.memory_space<hbm>> -> memref<1x2560xi32, #tpu.memory_space<hbm>>
        %dma_wait3A_249 = tpu.memref_squeeze %dma_wait3A_248 : memref<1x2560xi32, #tpu.memory_space<hbm>> -> memref<2560xi32, #tpu.memory_space<hbm>>
        tpu.wait_dma2 semaphore(%dma_wait3A_247 : memref<!tpu.dma_semaphore, #tpu.memory_space<semaphore_mem>>) src(%dma_wait3A_249 : memref<2560xi32, #tpu.memory_space<hbm>>) dst(%arg11 : memref<2560xi32, #tpu.memory_space<vmem>>)
        %dma_wait3A_250 = arith.constant 1 : i32
        %dma_wait3A_251 = arith.constant 1 : i32
        %dma_wait3A_252 = tpu.memref_slice %arg3[%dma_wait3A_250, %multiple_of3A_242] : memref<2x6400000xi32, #tpu.memory_space<hbm>> -> memref<1x2560xi32, #tpu.memory_space<hbm>>
        %dma_wait3A_253 = tpu.memref_squeeze %dma_wait3A_252 : memref<1x2560xi32, #tpu.memory_space<hbm>> -> memref<2560xi32, #tpu.memory_space<hbm>>
        %dma_wait3A_254 = tpu.memref_slice %arg16[%dma_wait3A_251] : memref<2x!tpu.dma_semaphore, #tpu.memory_space<semaphore_mem>> -> memref<1x!tpu.dma_semaphore, #tpu.memory_space<semaphore_mem>>
        %dma_wait3A_255 = tpu.memref_squeeze %dma_wait3A_254 : memref<1x!tpu.dma_semaphore, #tpu.memory_space<semaphore_mem>> -> memref<!tpu.dma_semaphore, #tpu.memory_space<semaphore_mem>>
        %dma_wait3A_256 = tpu.memref_slice %arg3[%dma_wait3A_250, %multiple_of3A_242] : memref<2x6400000xi32, #tpu.memory_space<hbm>> -> memref<1x2560xi32, #tpu.memory_space<hbm>>
        %dma_wait3A_257 = tpu.memref_squeeze %dma_wait3A_256 : memref<1x2560xi32, #tpu.memory_space<hbm>> -> memref<2560xi32, #tpu.memory_space<hbm>>
        tpu.wait_dma2 semaphore(%dma_wait3A_255 : memref<!tpu.dma_semaphore, #tpu.memory_space<semaphore_mem>>) src(%dma_wait3A_257 : memref<2560xi32, #tpu.memory_space<hbm>>) dst(%arg13 : memref<2560xi32, #tpu.memory_space<vmem>>)
        %gt3A = arith.constant 0 : i32
        %gt3A_258 = arith.cmpi sgt, %scan3A_210, %gt3A : i32
        %convert_element_type3A_259 = arith.extui %gt3A_258 : i1 to i32
        %cond3A_260 = arith.constant 0 : i32
        %cond3A_261 = arith.cmpi ne, %convert_element_type3A_259, %cond3A_260 : i32
        scf.if %cond3A_261 {
          %sub3A = arith.constant 2 : i32
          %sub3A_290 = arith.subi %add3A_227, %sub3A : i32
          %mul3A_291 = arith.constant 32 : i32
          %mul3A_292 = arith.muli %mul3A_291, %sub3A_290 : i32
          %add3A_293 = arith.addi %add3A, %mul3A_292 : i32
          %mul3A_294 = arith.constant 2560 : i32
          %mul3A_295 = arith.muli %add3A_293, %mul3A_294 : i32
          %multiple_of3A_296 = tpu.assume_multiple %mul3A_295, 2560 : i32
          %dma_wait3A_297 = arith.constant 1 : i32
          %dma_wait3A_298 = tpu.memref_slice %arg5[%multiple_of3A_296] : memref<6400000xf32, #tpu.memory_space<hbm>> -> memref<2560xf32, #tpu.memory_space<hbm>>
          %dma_wait3A_299 = tpu.memref_slice %arg17[%dma_wait3A_297] : memref<2x!tpu.dma_semaphore, #tpu.memory_space<semaphore_mem>> -> memref<1x!tpu.dma_semaphore, #tpu.memory_space<semaphore_mem>>
          %dma_wait3A_300 = tpu.memref_squeeze %dma_wait3A_299 : memref<1x!tpu.dma_semaphore, #tpu.memory_space<semaphore_mem>> -> memref<!tpu.dma_semaphore, #tpu.memory_space<semaphore_mem>>
          %dma_wait3A_301 = tpu.memref_slice %arg5[%multiple_of3A_296] : memref<6400000xf32, #tpu.memory_space<hbm>> -> memref<2560xf32, #tpu.memory_space<hbm>>
          tpu.wait_dma2 semaphore(%dma_wait3A_300 : memref<!tpu.dma_semaphore, #tpu.memory_space<semaphore_mem>>) src(%arg15 : memref<2560xf32, #tpu.memory_space<vmem>>) dst(%dma_wait3A_301 : memref<2560xf32, #tpu.memory_space<hbm>>)
        } else {
        }
        %scan3A_262 = arith.constant 0 : i32
        %scan3A_263 = arith.constant 0 : i32
        %scan3A_264 = arith.constant 32 : i32
        %scan3A_265 = arith.addi %scan3A_263, %scan3A_264 : i32
        %scan3A_266 = arith.constant 1 : i32
        %scan3A_267 = scf.for %scan3A_290 = %scan3A_263 to %scan3A_265 step %scan3A_266 iter_args(%scan3A_291 = %scan3A_262) -> (i32)  : i32 {
          %mul3A_292 = arith.constant 80 : i32
          %mul3A_293 = arith.muli %scan3A_290, %mul3A_292 : i32
          %add3A_294 = arith.constant 0 : i32
          %add3A_295 = arith.addi %mul3A_293, %add3A_294 : i32
          %add3A_296 = arith.constant 16 : i32
          %add3A_297 = arith.addi %mul3A_293, %add3A_296 : i32
          %add3A_298 = arith.constant 32 : i32
          %add3A_299 = arith.addi %mul3A_293, %add3A_298 : i32
          %add3A_300 = arith.constant 48 : i32
          %add3A_301 = arith.addi %mul3A_293, %add3A_300 : i32
          %add3A_302 = arith.constant 64 : i32
          %add3A_303 = arith.addi %mul3A_293, %add3A_302 : i32
          %get3A_304 = arith.index_cast %add3A_295 : i32 to index
          %get3A_305 = tpu.vector_load %arg11[%get3A_304] {strides = array<i32>} : memref<2560xi32, #tpu.memory_space<vmem>>, vector<16xi32>,
          %get3A_306 = arith.index_cast %add3A_297 : i32 to index
          %get3A_307 = tpu.vector_load %arg11[%get3A_306] {strides = array<i32>} : memref<2560xi32, #tpu.memory_space<vmem>>, vector<16xi32>,
          %get3A_308 = arith.index_cast %add3A_299 : i32 to index
          %get3A_309 = tpu.vector_load %arg11[%get3A_308] {strides = array<i32>} : memref<2560xi32, #tpu.memory_space<vmem>>, vector<16xi32>,
          %get3A_310 = arith.index_cast %add3A_301 : i32 to index
          %get3A_311 = tpu.vector_load %arg11[%get3A_310] {strides = array<i32>} : memref<2560xi32, #tpu.memory_space<vmem>>, vector<16xi32>,
          %get3A_312 = arith.index_cast %add3A_303 : i32 to index
          %get3A_313 = tpu.vector_load %arg11[%get3A_312] {strides = array<i32>} : memref<2560xi32, #tpu.memory_space<vmem>>, vector<16xi32>,
          %get3A_314 = arith.index_cast %add3A_295 : i32 to index
          %get3A_315 = tpu.vector_load %arg13[%get3A_314] {strides = array<i32>} : memref<2560xi32, #tpu.memory_space<vmem>>, vector<16xi32>,
          %get3A_316 = arith.index_cast %add3A_297 : i32 to index
          %get3A_317 = tpu.vector_load %arg13[%get3A_316] {strides = array<i32>} : memref<2560xi32, #tpu.memory_space<vmem>>, vector<16xi32>,
          %get3A_318 = arith.index_cast %add3A_299 : i32 to index
          %get3A_319 = tpu.vector_load %arg13[%get3A_318] {strides = array<i32>} : memref<2560xi32, #tpu.memory_space<vmem>>, vector<16xi32>,
          %get3A_320 = arith.index_cast %add3A_301 : i32 to index
          %get3A_321 = tpu.vector_load %arg13[%get3A_320] {strides = array<i32>} : memref<2560xi32, #tpu.memory_space<vmem>>, vector<16xi32>,
          %get3A_322 = arith.index_cast %add3A_303 : i32 to index
          %get3A_323 = tpu.vector_load %arg13[%get3A_322] {strides = array<i32>} : memref<2560xi32, #tpu.memory_space<vmem>>, vector<16xi32>,
          %gather3A = tpu.vector_load_idx %arg6[%get3A_305] : memref<100000xf32, #tpu.memory_space<vmem>>[vector<16xi32>], vector<16xf32>,
          %gather3A_324 = tpu.vector_load_idx %arg6[%get3A_307] : memref<100000xf32, #tpu.memory_space<vmem>>[vector<16xi32>], vector<16xf32>,
          %gather3A_325 = tpu.vector_load_idx %arg6[%get3A_309] : memref<100000xf32, #tpu.memory_space<vmem>>[vector<16xi32>], vector<16xf32>,
          %gather3A_326 = tpu.vector_load_idx %arg6[%get3A_311] : memref<100000xf32, #tpu.memory_space<vmem>>[vector<16xi32>], vector<16xf32>,
          %gather3A_327 = tpu.vector_load_idx %arg6[%get3A_313] : memref<100000xf32, #tpu.memory_space<vmem>>[vector<16xi32>], vector<16xf32>,
          %gather3A_328 = tpu.vector_load_idx %arg6[%get3A_315] : memref<100000xf32, #tpu.memory_space<vmem>>[vector<16xi32>], vector<16xf32>,
          %gather3A_329 = tpu.vector_load_idx %arg6[%get3A_317] : memref<100000xf32, #tpu.memory_space<vmem>>[vector<16xi32>], vector<16xf32>,
          %gather3A_330 = tpu.vector_load_idx %arg6[%get3A_319] : memref<100000xf32, #tpu.memory_space<vmem>>[vector<16xi32>], vector<16xf32>,
          %gather3A_331 = tpu.vector_load_idx %arg6[%get3A_321] : memref<100000xf32, #tpu.memory_space<vmem>>[vector<16xi32>], vector<16xf32>,
          %gather3A_332 = tpu.vector_load_idx %arg6[%get3A_323] : memref<100000xf32, #tpu.memory_space<vmem>>[vector<16xi32>], vector<16xf32>,
          %sub3A = arith.subf %gather3A, %broadcast_in_dim3A_108 : vector<16xf32>
          %sub3A_333 = arith.subf %gather3A_328, %broadcast_in_dim3A_108 : vector<16xf32>
          %mul3A_334 = arith.mulf %sub3A, %sub3A_333 : vector<16xf32>
          %sub3A_335 = arith.subf %gather3A_324, %broadcast_in_dim3A_108 : vector<16xf32>
          %sub3A_336 = arith.subf %gather3A_329, %broadcast_in_dim3A_108 : vector<16xf32>
          %mul3A_337 = arith.mulf %sub3A_335, %sub3A_336 : vector<16xf32>
          %sub3A_338 = arith.subf %gather3A_325, %broadcast_in_dim3A_108 : vector<16xf32>
          %sub3A_339 = arith.subf %gather3A_330, %broadcast_in_dim3A_108 : vector<16xf32>
          %mul3A_340 = arith.mulf %sub3A_338, %sub3A_339 : vector<16xf32>
          %sub3A_341 = arith.subf %gather3A_326, %broadcast_in_dim3A_108 : vector<16xf32>
          %sub3A_342 = arith.subf %gather3A_331, %broadcast_in_dim3A_108 : vector<16xf32>
          %mul3A_343 = arith.mulf %sub3A_341, %sub3A_342 : vector<16xf32>
          %sub3A_344 = arith.subf %gather3A_327, %broadcast_in_dim3A_108 : vector<16xf32>
          %sub3A_345 = arith.subf %gather3A_332, %broadcast_in_dim3A_108 : vector<16xf32>
          %mul3A_346 = arith.mulf %sub3A_344, %sub3A_345 : vector<16xf32>
          %swap3A_347 = arith.index_cast %add3A_295 : i32 to index
          %swap3A_348 = tpu.vector_load %arg15[%swap3A_347] {strides = array<i32>} : memref<2560xf32, #tpu.memory_space<vmem>>, vector<16xf32>,
          tpu.vector_store %arg15[%swap3A_347], %mul3A_334 {strides = array<i32>} : memref<2560xf32, #tpu.memory_space<vmem>>, vector<16xf32>,
          %swap3A_349 = arith.index_cast %add3A_297 : i32 to index
          %swap3A_350 = tpu.vector_load %arg15[%swap3A_349] {strides = array<i32>} : memref<2560xf32, #tpu.memory_space<vmem>>, vector<16xf32>,
          tpu.vector_store %arg15[%swap3A_349], %mul3A_337 {strides = array<i32>} : memref<2560xf32, #tpu.memory_space<vmem>>, vector<16xf32>,
          %swap3A_351 = arith.index_cast %add3A_299 : i32 to index
          %swap3A_352 = tpu.vector_load %arg15[%swap3A_351] {strides = array<i32>} : memref<2560xf32, #tpu.memory_space<vmem>>, vector<16xf32>,
          tpu.vector_store %arg15[%swap3A_351], %mul3A_340 {strides = array<i32>} : memref<2560xf32, #tpu.memory_space<vmem>>, vector<16xf32>,
          %swap3A_353 = arith.index_cast %add3A_301 : i32 to index
          %swap3A_354 = tpu.vector_load %arg15[%swap3A_353] {strides = array<i32>} : memref<2560xf32, #tpu.memory_space<vmem>>, vector<16xf32>,
          tpu.vector_store %arg15[%swap3A_353], %mul3A_343 {strides = array<i32>} : memref<2560xf32, #tpu.memory_space<vmem>>, vector<16xf32>,
          %swap3A_355 = arith.index_cast %add3A_303 : i32 to index
          %swap3A_356 = tpu.vector_load %arg15[%swap3A_355] {strides = array<i32>} : memref<2560xf32, #tpu.memory_space<vmem>>, vector<16xf32>,
          tpu.vector_store %arg15[%swap3A_355], %mul3A_346 {strides = array<i32>} : memref<2560xf32, #tpu.memory_space<vmem>>, vector<16xf32>,
          %scan3A_357 = arith.constant 0 : i32
          scf.yield %scan3A_357 : i32
        }
        %scan3A_268 = arith.constant 32 : i32
        %mul3A_269 = arith.constant 32 : i32
        %mul3A_270 = arith.muli %mul3A_269, %add3A_227 : i32
        %add3A_271 = arith.addi %add3A, %mul3A_270 : i32
        %mul3A_272 = arith.constant 2560 : i32
        %mul3A_273 = arith.muli %add3A_271, %mul3A_272 : i32
        %multiple_of3A_274 = tpu.assume_multiple %mul3A_273, 2560 : i32
        %dma_start3A_275 = arith.constant 1 : i32
        %dma_start3A_276 = tpu.memref_slice %arg5[%multiple_of3A_274] : memref<6400000xf32, #tpu.memory_space<hbm>> -> memref<2560xf32, #tpu.memory_space<hbm>>
        %dma_start3A_277 = tpu.memref_slice %arg17[%dma_start3A_275] : memref<2x!tpu.dma_semaphore, #tpu.memory_space<semaphore_mem>> -> memref<1x!tpu.dma_semaphore, #tpu.memory_space<semaphore_mem>>
        %dma_start3A_278 = tpu.memref_squeeze %dma_start3A_277 : memref<1x!tpu.dma_semaphore, #tpu.memory_space<semaphore_mem>> -> memref<!tpu.dma_semaphore, #tpu.memory_space<semaphore_mem>>
        %dma_start3A_279 = tpu.memref_slice %arg5[%multiple_of3A_274] : memref<6400000xf32, #tpu.memory_space<hbm>> -> memref<2560xf32, #tpu.memory_space<hbm>>
        tpu.enqueue_dma source(%arg15 : memref<2560xf32, #tpu.memory_space<vmem>>) target(%dma_start3A_279 : memref<2560xf32, #tpu.memory_space<hbm>>) target_semaphore(%dma_start3A_278 : memref<!tpu.dma_semaphore, #tpu.memory_space<semaphore_mem>>)
        %add3A_280 = arith.constant 2 : i32
        %add3A_281 = arith.addi %add3A_227, %add3A_280 : i32
        %mul3A_282 = arith.constant 32 : i32
        %mul3A_283 = arith.muli %mul3A_282, %add3A_281 : i32
        %add3A_284 = arith.addi %add3A, %mul3A_283 : i32
        %lt3A_285 = arith.constant 2500 : i32
        %lt3A_286 = arith.cmpi slt, %add3A_284, %lt3A_285 : i32
        %convert_element_type3A_287 = arith.extui %lt3A_286 : i1 to i32
        %cond3A_288 = arith.constant 0 : i32
        %cond3A_289 = arith.cmpi ne, %convert_element_type3A_287, %cond3A_288 : i32
        scf.if %cond3A_289 {
          %add3A_290 = arith.constant 2 : i32
          %add3A_291 = arith.addi %add3A_227, %add3A_290 : i32
          %mul3A_292 = arith.constant 32 : i32
          %mul3A_293 = arith.muli %mul3A_292, %add3A_291 : i32
          %add3A_294 = arith.addi %add3A, %mul3A_293 : i32
          %mul3A_295 = arith.constant 2560 : i32
          %mul3A_296 = arith.muli %add3A_294, %mul3A_295 : i32
          %multiple_of3A_297 = tpu.assume_multiple %mul3A_296, 2560 : i32
          %dma_start3A_298 = arith.constant 0 : i32
          %dma_start3A_299 = arith.constant 1 : i32
          %dma_start3A_300 = tpu.memref_slice %arg3[%dma_start3A_298, %multiple_of3A_297] : memref<2x6400000xi32, #tpu.memory_space<hbm>> -> memref<1x2560xi32, #tpu.memory_space<hbm>>
          %dma_start3A_301 = tpu.memref_squeeze %dma_start3A_300 : memref<1x2560xi32, #tpu.memory_space<hbm>> -> memref<2560xi32, #tpu.memory_space<hbm>>
          %dma_start3A_302 = tpu.memref_slice %arg16[%dma_start3A_299] : memref<2x!tpu.dma_semaphore, #tpu.memory_space<semaphore_mem>> -> memref<1x!tpu.dma_semaphore, #tpu.memory_space<semaphore_mem>>
          %dma_start3A_303 = tpu.memref_squeeze %dma_start3A_302 : memref<1x!tpu.dma_semaphore, #tpu.memory_space<semaphore_mem>> -> memref<!tpu.dma_semaphore, #tpu.memory_space<semaphore_mem>>
          %dma_start3A_304 = tpu.memref_slice %arg3[%dma_start3A_298, %multiple_of3A_297] : memref<2x6400000xi32, #tpu.memory_space<hbm>> -> memref<1x2560xi32, #tpu.memory_space<hbm>>
          %dma_start3A_305 = tpu.memref_squeeze %dma_start3A_304 : memref<1x2560xi32, #tpu.memory_space<hbm>> -> memref<2560xi32, #tpu.memory_space<hbm>>
          tpu.enqueue_dma source(%dma_start3A_305 : memref<2560xi32, #tpu.memory_space<hbm>>) target(%arg11 : memref<2560xi32, #tpu.memory_space<vmem>>) target_semaphore(%dma_start3A_303 : memref<!tpu.dma_semaphore, #tpu.memory_space<semaphore_mem>>)
          %dma_start3A_306 = arith.constant 1 : i32
          %dma_start3A_307 = arith.constant 1 : i32
          %dma_start3A_308 = tpu.memref_slice %arg3[%dma_start3A_306, %multiple_of3A_297] : memref<2x6400000xi32, #tpu.memory_space<hbm>> -> memref<1x2560xi32, #tpu.memory_space<hbm>>
          %dma_start3A_309 = tpu.memref_squeeze %dma_start3A_308 : memref<1x2560xi32, #tpu.memory_space<hbm>> -> memref<2560xi32, #tpu.memory_space<hbm>>
          %dma_start3A_310 = tpu.memref_slice %arg16[%dma_start3A_307] : memref<2x!tpu.dma_semaphore, #tpu.memory_space<semaphore_mem>> -> memref<1x!tpu.dma_semaphore, #tpu.memory_space<semaphore_mem>>
          %dma_start3A_311 = tpu.memref_squeeze %dma_start3A_310 : memref<1x!tpu.dma_semaphore, #tpu.memory_space<semaphore_mem>> -> memref<!tpu.dma_semaphore, #tpu.memory_space<semaphore_mem>>
          %dma_start3A_312 = tpu.memref_slice %arg3[%dma_start3A_306, %multiple_of3A_297] : memref<2x6400000xi32, #tpu.memory_space<hbm>> -> memref<1x2560xi32, #tpu.memory_space<hbm>>
          %dma_start3A_313 = tpu.memref_squeeze %dma_start3A_312 : memref<1x2560xi32, #tpu.memory_space<hbm>> -> memref<2560xi32, #tpu.memory_space<hbm>>
          tpu.enqueue_dma source(%dma_start3A_313 : memref<2560xi32, #tpu.memory_space<hbm>>) target(%arg13 : memref<2560xi32, #tpu.memory_space<vmem>>) target_semaphore(%dma_start3A_311 : memref<!tpu.dma_semaphore, #tpu.memory_space<semaphore_mem>>)
        } else {
        }
      } else {
      }
      %scan3A_236 = arith.constant 0 : i32
      scf.yield %scan3A_236 : i32
    }
    %scan3A_156 = arith.constant 40 : i32
    %add3A_157 = arith.constant 2432 : i32
    %add3A_158 = arith.addi %add3A, %add3A_157 : i32
    %lt3A = arith.constant 2500 : i32
    %lt3A_159 = arith.cmpi slt, %add3A_158, %lt3A : i32
    %add3A_160 = arith.constant 2496 : i32
    %add3A_161 = arith.addi %add3A, %add3A_160 : i32
    %lt3A_162 = arith.constant 2500 : i32
    %lt3A_163 = arith.cmpi slt, %add3A_161, %lt3A_162 : i32
    %not3A = arith.constant true
    %not3A_164 = arith.xori %lt3A_163, %not3A : i1
    %and3A = arith.andi %lt3A_159, %not3A_164 : i1
    %convert_element_type3A_165 = arith.extui %and3A : i1 to i32
    %cond3A_166 = arith.constant 0 : i32
    %cond3A_167 = arith.cmpi ne, %convert_element_type3A_165, %cond3A_166 : i32
    scf.if %cond3A_167 {
      %add3A_210 = arith.constant 2432 : i32
      %add3A_211 = arith.addi %add3A, %add3A_210 : i32
      %mul3A_212 = arith.constant 2560 : i32
      %mul3A_213 = arith.muli %add3A_211, %mul3A_212 : i32
      %multiple_of3A_214 = tpu.assume_multiple %mul3A_213, 2560 : i32
      %dma_wait3A = arith.constant 0 : i32
      %dma_wait3A_215 = tpu.memref_slice %arg5[%multiple_of3A_214] : memref<6400000xf32, #tpu.memory_space<hbm>> -> memref<2560xf32, #tpu.memory_space<hbm>>
      %dma_wait3A_216 = tpu.memref_slice %arg17[%dma_wait3A] : memref<2x!tpu.dma_semaphore, #tpu.memory_space<semaphore_mem>> -> memref<1x!tpu.dma_semaphore, #tpu.memory_space<semaphore_mem>>
      %dma_wait3A_217 = tpu.memref_squeeze %dma_wait3A_216 : memref<1x!tpu.dma_semaphore, #tpu.memory_space<semaphore_mem>> -> memref<!tpu.dma_semaphore, #tpu.memory_space<semaphore_mem>>
      %dma_wait3A_218 = tpu.memref_slice %arg5[%multiple_of3A_214] : memref<6400000xf32, #tpu.memory_space<hbm>> -> memref<2560xf32, #tpu.memory_space<hbm>>
      tpu.wait_dma2 semaphore(%dma_wait3A_217 : memref<!tpu.dma_semaphore, #tpu.memory_space<semaphore_mem>>) src(%arg14 : memref<2560xf32, #tpu.memory_space<vmem>>) dst(%dma_wait3A_218 : memref<2560xf32, #tpu.memory_space<hbm>>)
    } else {
    }
    %add3A_168 = arith.constant 2464 : i32
    %add3A_169 = arith.addi %add3A, %add3A_168 : i32
    %lt3A_170 = arith.constant 2500 : i32
    %lt3A_171 = arith.cmpi slt, %add3A_169, %lt3A_170 : i32
    %add3A_172 = arith.constant 2528 : i32
    %add3A_173 = arith.addi %add3A, %add3A_172 : i32
    %lt3A_174 = arith.constant 2500 : i32
    %lt3A_175 = arith.cmpi slt, %add3A_173, %lt3A_174 : i32
    %not3A_176 = arith.constant true
    %not3A_177 = arith.xori %lt3A_175, %not3A_176 : i1
    %and3A_178 = arith.andi %lt3A_171, %not3A_177 : i1
    %convert_element_type3A_179 = arith.extui %and3A_178 : i1 to i32
    %cond3A_180 = arith.constant 0 : i32
    %cond3A_181 = arith.cmpi ne, %convert_element_type3A_179, %cond3A_180 : i32
    scf.if %cond3A_181 {
      %add3A_210 = arith.constant 2464 : i32
      %add3A_211 = arith.addi %add3A, %add3A_210 : i32
      %mul3A_212 = arith.constant 2560 : i32
      %mul3A_213 = arith.muli %add3A_211, %mul3A_212 : i32
      %multiple_of3A_214 = tpu.assume_multiple %mul3A_213, 2560 : i32
      %dma_wait3A = arith.constant 1 : i32
      %dma_wait3A_215 = tpu.memref_slice %arg5[%multiple_of3A_214] : memref<6400000xf32, #tpu.memory_space<hbm>> -> memref<2560xf32, #tpu.memory_space<hbm>>
      %dma_wait3A_216 = tpu.memref_slice %arg17[%dma_wait3A] : memref<2x!tpu.dma_semaphore, #tpu.memory_space<semaphore_mem>> -> memref<1x!tpu.dma_semaphore, #tpu.memory_space<semaphore_mem>>
      %dma_wait3A_217 = tpu.memref_squeeze %dma_wait3A_216 : memref<1x!tpu.dma_semaphore, #tpu.memory_space<semaphore_mem>> -> memref<!tpu.dma_semaphore, #tpu.memory_space<semaphore_mem>>
      %dma_wait3A_218 = tpu.memref_slice %arg5[%multiple_of3A_214] : memref<6400000xf32, #tpu.memory_space<hbm>> -> memref<2560xf32, #tpu.memory_space<hbm>>
      tpu.wait_dma2 semaphore(%dma_wait3A_217 : memref<!tpu.dma_semaphore, #tpu.memory_space<semaphore_mem>>) src(%arg15 : memref<2560xf32, #tpu.memory_space<vmem>>) dst(%dma_wait3A_218 : memref<2560xf32, #tpu.memory_space<hbm>>)
    } else {
    }
    %add3A_182 = arith.constant 2496 : i32
    %add3A_183 = arith.addi %add3A, %add3A_182 : i32
    %lt3A_184 = arith.constant 2500 : i32
    %lt3A_185 = arith.cmpi slt, %add3A_183, %lt3A_184 : i32
    %add3A_186 = arith.constant 2560 : i32
    %add3A_187 = arith.addi %add3A, %add3A_186 : i32
    %lt3A_188 = arith.constant 2500 : i32
    %lt3A_189 = arith.cmpi slt, %add3A_187, %lt3A_188 : i32
    %not3A_190 = arith.constant true
    %not3A_191 = arith.xori %lt3A_189, %not3A_190 : i1
    %and3A_192 = arith.andi %lt3A_185, %not3A_191 : i1
    %convert_element_type3A_193 = arith.extui %and3A_192 : i1 to i32
    %cond3A_194 = arith.constant 0 : i32
    %cond3A_195 = arith.cmpi ne, %convert_element_type3A_193, %cond3A_194 : i32
    scf.if %cond3A_195 {
      %add3A_210 = arith.constant 2496 : i32
      %add3A_211 = arith.addi %add3A, %add3A_210 : i32
      %mul3A_212 = arith.constant 2560 : i32
      %mul3A_213 = arith.muli %add3A_211, %mul3A_212 : i32
      %multiple_of3A_214 = tpu.assume_multiple %mul3A_213, 2560 : i32
      %dma_wait3A = arith.constant 0 : i32
      %dma_wait3A_215 = tpu.memref_slice %arg5[%multiple_of3A_214] : memref<6400000xf32, #tpu.memory_space<hbm>> -> memref<2560xf32, #tpu.memory_space<hbm>>
      %dma_wait3A_216 = tpu.memref_slice %arg17[%dma_wait3A] : memref<2x!tpu.dma_semaphore, #tpu.memory_space<semaphore_mem>> -> memref<1x!tpu.dma_semaphore, #tpu.memory_space<semaphore_mem>>
      %dma_wait3A_217 = tpu.memref_squeeze %dma_wait3A_216 : memref<1x!tpu.dma_semaphore, #tpu.memory_space<semaphore_mem>> -> memref<!tpu.dma_semaphore, #tpu.memory_space<semaphore_mem>>
      %dma_wait3A_218 = tpu.memref_slice %arg5[%multiple_of3A_214] : memref<6400000xf32, #tpu.memory_space<hbm>> -> memref<2560xf32, #tpu.memory_space<hbm>>
      tpu.wait_dma2 semaphore(%dma_wait3A_217 : memref<!tpu.dma_semaphore, #tpu.memory_space<semaphore_mem>>) src(%arg14 : memref<2560xf32, #tpu.memory_space<vmem>>) dst(%dma_wait3A_218 : memref<2560xf32, #tpu.memory_space<hbm>>)
    } else {
    }
    %add3A_196 = arith.constant 2528 : i32
    %add3A_197 = arith.addi %add3A, %add3A_196 : i32
    %lt3A_198 = arith.constant 2500 : i32
    %lt3A_199 = arith.cmpi slt, %add3A_197, %lt3A_198 : i32
    %add3A_200 = arith.constant 2592 : i32
    %add3A_201 = arith.addi %add3A, %add3A_200 : i32
    %lt3A_202 = arith.constant 2500 : i32
    %lt3A_203 = arith.cmpi slt, %add3A_201, %lt3A_202 : i32
    %not3A_204 = arith.constant true
    %not3A_205 = arith.xori %lt3A_203, %not3A_204 : i1
    %and3A_206 = arith.andi %lt3A_199, %not3A_205 : i1
    %convert_element_type3A_207 = arith.extui %and3A_206 : i1 to i32
    %cond3A_208 = arith.constant 0 : i32
    %cond3A_209 = arith.cmpi ne, %convert_element_type3A_207, %cond3A_208 : i32
    scf.if %cond3A_209 {
      %add3A_210 = arith.constant 2528 : i32
      %add3A_211 = arith.addi %add3A, %add3A_210 : i32
      %mul3A_212 = arith.constant 2560 : i32
      %mul3A_213 = arith.muli %add3A_211, %mul3A_212 : i32
      %multiple_of3A_214 = tpu.assume_multiple %mul3A_213, 2560 : i32
      %dma_wait3A = arith.constant 1 : i32
      %dma_wait3A_215 = tpu.memref_slice %arg5[%multiple_of3A_214] : memref<6400000xf32, #tpu.memory_space<hbm>> -> memref<2560xf32, #tpu.memory_space<hbm>>
      %dma_wait3A_216 = tpu.memref_slice %arg17[%dma_wait3A] : memref<2x!tpu.dma_semaphore, #tpu.memory_space<semaphore_mem>> -> memref<1x!tpu.dma_semaphore, #tpu.memory_space<semaphore_mem>>
      %dma_wait3A_217 = tpu.memref_squeeze %dma_wait3A_216 : memref<1x!tpu.dma_semaphore, #tpu.memory_space<semaphore_mem>> -> memref<!tpu.dma_semaphore, #tpu.memory_space<semaphore_mem>>
      %dma_wait3A_218 = tpu.memref_slice %arg5[%multiple_of3A_214] : memref<6400000xf32, #tpu.memory_space<hbm>> -> memref<2560xf32, #tpu.memory_space<hbm>>
      tpu.wait_dma2 semaphore(%dma_wait3A_217 : memref<!tpu.dma_semaphore, #tpu.memory_space<semaphore_mem>>) src(%arg15 : memref<2560xf32, #tpu.memory_space<vmem>>) dst(%dma_wait3A_218 : memref<2560xf32, #tpu.memory_space<hbm>>)
    } else {
    }
    return
  }
}

</mosaic_0001>

<sc_bundles>
// kernel: kernel.3.cloned.1.call-start
scs
__scs_entry_jumppad:
0x0: {  	(pc) =	sbr.rel $0x88, $3  }
0x1: {  	(tag) =	ssettag $0x0;
	lr =	simm.s32 $0x1  }
0x2: {  	[smem:$0x3F9E] =	sst lr;
	_ =	strace $0xD0000000  }
0x3: {  	_ = 	snop  }
0x4: {  	_ = 	snop  }
0x5: {  	_ = 	snop  }
0x6: {  	_ = 	snop  }
0x7: {  	_ = 	snop  }
__scs_overlays_trampoline_lowered:
0x8: {  	[smem:$0x3FAD] =	sst s0  }
0x9: {  	[smem:$0x3FAE] =	sst s1  }
0xa: {  	[smem:$0x3FAF] =	sst s2  }
0xb: {  	[smem:$0x3FB0] =	sst s3  }
0xc: {  	[smem:$0x3FB1] =	sst s4  }
0xd: {  	[smem:$0x3FB2] =	sst s5  }
0xe: {  	[smem:$0x3FB3] =	sst s6  }
0xf: {  	[smem:$0x3FB4] =	sst s7  }
0x10: {  	[smem:$0x3FB5] =	sst s8  }
0x11: {  	[smem:$0x3FB6] =	sst s9;
	s0 =	simm.s32 @!p0 $0x0  }
0x12: {  	s1 =	sld [smem:$0x3F9C];
	s0 =	simm.s32 @p0 $0x1  }
0x13: {  	[smem:$0x3FB7] =	sst s0;
	s0 =	simm.s32 @!p1 $0x0  }
0x14: {  	s2 =	sld [smem:$0x3F9B];
	s0 =	simm.s32 @p1 $0x1  }
0x15: {  	[smem:$0x3FB8] =	sst s0;
	s0 =	simm.s32 @!p2 $0x0  }
0x16: {  	s3 =	sld [smem:$0x3FDB];
	s0 =	simm.s32 @p2 $0x1  }
0x17: {  	s4 =	simm.s32 $0x1BF5;
	[smem:$0x3FBA] =	sst s0  }
0x18: {  	s0 =	sld [smem:$0x3F9D];
	_ =	swait.ge [sflag:s4], $0x0  }
0x19: {  	s7 =	sld [smem:$0x3F9E]  }
0x1a: {  	s8 =	sadd.s32 $0xFFFFE003, lr  }
0x1b: {  	s9 =	sadd.s32 $0xFFFFFEF7, lr;
	s5 =	simm.s32 $0xFFFFFFFF;
	p2 =	slt.u32 s8, $0xFFFFF086  }
0x1c: {  	p1 =	slt.u32 s9, $0xF7A;
	s5 =	simm.s32 @!p2 $0x0  }
0x1d: {  	s5 =	simm.s32 @p1 $0x1;
	p0 =	seq.s32 s7, s2  }
0x1e: {  	s7 =	smul.u32 @!p0 $0xF7A, s2;
	p2 =	seq.s32 @!p0 s5, $0x0  }
0x1f: {  	s9 =	smul.u32 $0xF7A, s1;
	s8 =	simm.s32 @!p0 $0x1BF5;
	p2 =	por !p2, p0  }
0x20: {  	[sflag:s8] =	ssyncset.s32 @!p0 $0xFFFFF086;
	s6 =	sadd.s32 @!p0 s3, s7;
	s7 =	simm.s32 @!p0 $0x108  }
0x21: {  	s3 =	sadd.s32 s3, s9;
	s6 =	sadd.s32 @!p0 $0x88, s6;
	s7 =	simm.s32 @p2 $0x1082  }
0x22: {  	[simem:s7], [sflag:s8] =	dma.local @!p0 [hbm:s6], $0xF7A  }
0x23: {  	s9 =	sor.u32 $0xD0000000, s2;
	s6 =	simm.s32 $0x108;
	_ =	swait.ge @!p0 [sflag:s8], $0x0  }
0x24: {  	s3 =	sadd.s32 $0x88, s3;
	s6 =	simm.s32 @!p1 $0x1082;
	[sflag:s4] =	ssyncset.s32 $0xFFFFF086  }
0x25: {  	[simem:s6], [sflag:s4] =	dma.local [hbm:s3], $0xF7A  }
0x26: {  	[smem:$0x3F9E] =	sst s1;
	(tag) =	ssettag s2;
	_ =	strace s9  }
0x27: {  	s1 =	sld [smem:$0x3FAE]  }
0x28: {  	s2 =	sld [smem:$0x3FAF]  }
0x29: {  	s4 =	sld [smem:$0x3FB1]  }
0x2a: {  	p0 =	seq.s32 s5, $0x0;
	s5 =	sld [smem:$0x3FB2]  }
0x2b: {  	s6 =	sld [smem:$0x3FB3]  }
0x2c: {  	s7 =	sld [smem:$0x3FB4]  }
0x2d: {  	s3 =	simm.s32 $0x108;
	s8 =	sld [smem:$0x3FB5]  }
0x2e: {  	s3 =	simm.s32 @!p0 $0x1082;
	s9 =	sld [smem:$0x3FB6]  }
0x2f: {  	lr =	sadd.s32 s0, s3;
	s0 =	sld [smem:$0x3FAD]  }
0x30: {  	s3 =	sld [smem:$0x3FB0]  }
0x31: {  	[smem:$0x3FB9] =	sst s10  }
0x32: {  	s10 =	sld [smem:$0x3FB7];
	_ =	sdelay $0x3  }
0x33: {  	p0 =	seq.s32 s10, $0x1;
	s10 =	sld [smem:$0x3FB9];
	_ =	sdelay $0x3  }
0x34: {  	[smem:$0x3FB9] =	sst s10  }
0x35: {  	s10 =	sld [smem:$0x3FB8];
	_ =	sdelay $0x3  }
0x36: {  	p1 =	seq.s32 s10, $0x1;
	s10 =	sld [smem:$0x3FB9];
	_ =	sdelay $0x3  }
0x37: {  	[smem:$0x3FB9] =	sst s10  }
0x38: {  	s10 =	sld [smem:$0x3FBA]  }
0x39: {  	_ = 	snop;
	(pc) =	sbr.ind lr, $3  }
0x3a: {  	_ = 	snop  }
0x3b: {  	_ = 	snop  }
0x3c: {  	p2 =	seq.s32 s10, $0x1;
	s10 =	sld [smem:$0x3FB9]  }
0x3d: {  	_ =	shalt  }
0x3e: {  	_ =	shalt  }
0x3f: {  	_ =	shalt  }
0x40: {  	_ =	shalt  }
0x41: {  	_ =	shalt  }
0x42: {  	_ =	shalt  }
0x43: {  	_ =	shalt  }
0x44: {  	_ =	shalt  }
0x45: {  	_ =	shalt  }
0x46: {  	_ =	shalt  }
0x47: {  	_ =	shalt  }
0x48: {  	_ =	shalt  }
0x49: {  	_ =	shalt  }
0x4a: {  	_ =	shalt  }
0x4b: {  	_ =	shalt  }
0x4c: {  	_ =	shalt  }
0x4d: {  	_ =	shalt  }
0x4e: {  	_ =	shalt  }
0x4f: {  	_ =	shalt  }
0x50: {  	_ =	shalt  }
0x51: {  	_ =	shalt  }
0x52: {  	_ =	shalt  }
0x53: {  	_ =	shalt  }
0x54: {  	_ =	shalt  }
0x55: {  	_ =	shalt  }
0x56: {  	_ =	shalt  }
0x57: {  	_ =	shalt  }
0x58: {  	_ =	shalt  }
0x59: {  	_ =	shalt  }
0x5a: {  	_ =	shalt  }
0x5b: {  	_ =	shalt  }
0x5c: {  	_ =	shalt  }
0x5d: {  	_ =	shalt  }
0x5e: {  	_ =	shalt  }
0x5f: {  	_ =	shalt  }
0x60: {  	_ =	shalt  }
0x61: {  	_ =	shalt  }
0x62: {  	_ =	shalt  }
0x63: {  	_ =	shalt  }
0x64: {  	_ =	shalt  }
0x65: {  	_ =	shalt  }
0x66: {  	_ =	shalt  }
0x67: {  	_ =	shalt  }
0x68: {  	_ =	shalt  }
0x69: {  	_ =	shalt  }
0x6a: {  	_ =	shalt  }
0x6b: {  	_ =	shalt  }
0x6c: {  	_ =	shalt  }
0x6d: {  	_ =	shalt  }
0x6e: {  	_ =	shalt  }
0x6f: {  	_ =	shalt  }
0x70: {  	_ =	shalt  }
0x71: {  	_ =	shalt  }
0x72: {  	_ =	shalt  }
0x73: {  	_ =	shalt  }
0x74: {  	_ =	shalt  }
0x75: {  	_ =	shalt  }
0x76: {  	_ =	shalt  }
0x77: {  	_ =	shalt  }
0x78: {  	_ =	shalt  }
0x79: {  	_ =	shalt  }
0x7a: {  	_ =	shalt  }
0x7b: {  	_ =	shalt  }
0x7c: {  	_ =	shalt  }
0x7d: {  	_ =	shalt  }
0x7e: {  	_ =	shalt  }
0x7f: {  	_ =	shalt  }
0x80: {  	_ =	shalt  }
0x81: {  	_ =	shalt  }
0x82: {  	_ =	shalt  }
0x83: {  	_ =	shalt  }
0x84: {  	_ =	shalt  }
0x85: {  	_ =	shalt  }
0x86: {  	_ =	shalt  }
0x87: {  	_ =	shalt  }
.Lfunc_end0:
.L_simem_size_0:
called_computation_lowered:
.L_overlay_start_0:
0x88: {  	s2 =	sld [smem:$0x3FD9]  }
0x89: {  	s3 =	sld [smem:$0x3FFE];
	_ =	sdelay $0x1  }
0x8a: {  	s1 =	srdreg.scid  }
0x8b: {  	s0 =	sand.u32 $0x1, s1  }
0x8c: {  	s17 =	sshll.u32 s0, $0xA;
	s2 =	sadd.s32 s3, s2  }
0x8d: {  	s2 =	sadd.s32 s2, s17  }
0x8e: {  	[smem:$0x3FC5] =	sst s2  }
0x8f: {  	_ = 	snop  }
0x90: {  	s2 =	sld [smem:$0x3FC8]  }
0x91: {  	s18 =	sld [smem:$0x3FD0];
	(tm) =	ssettm $0x1  }
0x92: {  	s4 =	sld [smem:$0x3FFB];
	_ =	sdelay $0x3  }
0x93: {  	_ =	strace s4  }
0x94: {  	s4 =	sld [smem:$0x3FFC];
	_ =	sdelay $0x3  }
0x95: {  	_ =	strace s4  }
0x96: {  	s4 =	sld [smem:$0x3FFD];
	_ =	sdelay $0x3  }
0x97: {  	_ =	strace s4  }
0x98: {  	_ =	strace $0x8FFFFFFF  }
0x99: {  	s19 =	sld [smem:$0x3FDB];
	_ =	sdelay $0x1  }
0x9a: {  	s5 =	simm.s32 $_scs_section_size  }
0x9b: {  	s6 =	simm.s32 $_size__tile_overlayer_lowered;
	s7 =	simm.s32 $_tile_overlayer_lowered  }
0x9c: {  	s22 =	simm.s32 $0x1BFF;
	s21 =	sshll.u32 s7, $0x1;
	s4 =	sadd.s32 s5, s19  }
0x9d: {  	s8 =	simm.s32 $0x0;
	s20 =	sshll.u32 s6, $0x1;
	s6 =	sadd.s32 s21, s4  }
0x9e: {  	[timem:s8], [sflag:s22] =	dma.local [hbm:s6], s20  }
0x9f: {  	_ =	swait.ge [sflag:s22], s20  }
0xa0: {  	s5 =	ssub.s32 $0x0, s20;
	[sflag:s22] =	ssyncset.done $0x0  }
0xa1: {  	[sflag:s22] =	ssyncadd.s32 s5;
	_ =	sdelay $0x1  }
0xa2: {  	s23 =	simm.s32 $0x1B8B  }
0xa3: {  	_ =	swait.ge [sflag:s23], $0x1  }
0xa4: {  	[sflag:s23] =	ssyncset.done $0x0  }
0xa5: {  	s25 =	simm.s32 $0x1B8E;
	s24 =	sld [smem:$0x3FFE];
	[sflag:s23] =	ssyncadd.s32 $0xFFFFFFFF  }
0xa6: {  	s26 =	simm.s32 $execute0_lowered;
	[smem:$0x3FD2] =	sst s25  }
0xa7: {  	s6 =	sshll.u32 s26, $0x1;
	_ =	strace $0x80000046;
	[dreg:$0x1] =	wrdreg $0xFFFFFFFF  }
0xa8: {  	s28 =	simm.s32 $_size_execute0_lowered;
	s4 =	sadd.s32 s4, s6;
	[dreg:$0x0] =	wrdreg $0x0  }
0xa9: {  	s6 =	sshll.u32 s28, $0x1;
	[dreg:$0x2] =	wrdreg s4  }
0xaa: {  	[dreg:$0x3] =	wrdreg s6  }
0xab: {  	[dreg:$0x4] =	wrdreg $0xC0  }
0xac: {  	_ =	task [dreg:s8], $0x5FFFF  }
0xad: {  	[dreg:$0x1] =	wrdreg $0xFFFFFFFF  }
0xae: {  	[dreg:$0x0] =	wrdreg $0x60  }
0xaf: {  	[dreg:$0x2] =	wrdreg s24  }
0xb0: {  	[dreg:$0x3] =	wrdreg s2  }
0xb1: {  	[dreg:$0x4] =	wrdreg s18  }
0xb2: {  	[dreg:$0x5] =	wrdreg $0x187000  }
0xb3: {  	[dreg:$0x6] =	wrdreg $0x19F700  }
0xb4: {  	[dreg:$0x7] =	wrdreg $0x9  }
0xb5: {  	_ =	task.clear_ibuf [dreg:s8], $0x8FFFF;
	_ =	strace $0x90000046  }
0xb6: {  	s29 =	simm.s32 $0x9;
	_ =	strace $0x80000048  }
0xb7: {  	_ =	swait.ge [sflag:s29], $0x1  }
0xb8: {  	[sflag:s29] =	ssyncadd.s32 $0xFFFFFFFF  }
0xb9: {  	_ =	strace $0x90000048  }
0xba: {  	_ =	sfence  }
0xbb: {  	s30 =	sld [smem:$0x0];
	_ =	sdelay $0x2  }
0xbc: {  	s31 =	sshll.u32 s1, $0xD;
	s1 =	sshrl.u32 s1, $0x2  }
0xbd: {  	s3 =	sand.u32 $0x4000, s31;
	s1 =	sadd.s32 s1, s30  }
0xbe: {  	s0 =	sor.u32 s3, s0;
	s1 =	sshll.u32 s1, $0x11  }
0xbf: {  	s0 =	sor.u32 s1, s0  }
0xc0: {  	s0 =	sadd.s32 $0x8F2B, s0  }
0xc1: {  	[sflag:s0] =	ssyncadd.remote.s32 $0x1  }
0xc2: {  	_ =	sfence.sel $0xFFFF  }
0xc3: {  	[dreg:$0x0] =	wrdreg $0xFFFFFFFF;
	(pc) =	sbr.abs _section_cstart, $3  }
0xc4: {  	[dreg:$0x1] =	wrdreg $0xFFFFFFFF  }
0xc5: {  	_ =	task.clear_ibuf [dreg:s8], $0x2FFFF;
	_ =	strace $0x9FFFFFFF  }
0xc6: {  	(tm) =	ssettm $0x7FFFFFFF  }
0xc7: {  	_ =	shalt  }
tec
execute0_lowered:
.L_overlay_start_1:
0x0: {  	(tag) =	ssettag $0x1  }
0x1: {  	s10 =	rddreg [dreg:$0x0]  }
0x2: {  	s2 =	rddreg [dreg:$0x1]  }
0x3: {  	s3 =	rddreg [dreg:$0x2]  }
0x4: {  	s11 =	rddreg [dreg:$0x3]  }
0x5: {  	s12 =	rddreg [dreg:$0x4];
	s7 =	simm.s32 $0x0  }
0x6: {  	s0 =	srdreg.scid;
	s13 =	stileid.u32;
	s29 =	simm.s32 $0x19F80  }
0x7: {  	s30 =	simm.s32 $0x5;
	s31 =	simm.s32 $0x1A000;
	[smem:$0x7FF] =	sst s7  }
0x8: {  	s0 =	sand.u32 $0x1, s0;
	s4 =	smul.u32 $0x1860, s13;
	s5 =	sadd.s32 $0x200, s10  }
0x9: {  	s8 =	sshll.u32 s13, $0x1;
	s21 =	sadd.s32 $0x32C0, s10;
	s23 =	sadd.s32 $0x18600, s11  }
0xa: {  	s24 =	sshll.u32 s13, $0x4;
	p0 =	sgt.u32 s13, $0x1;
	s10 =	simm.s32 $0x0  }
0xb: {  	_ =	strace $0x80000047;
	s1 =	ssub.s32 $0x2, s0;
	[dreg:$0xc] =	wrdreg s21  }
0xc: {  	s8 =	sor.u32 s0, s8;
	[dreg:$0xd] =	wrdreg s23;
	s6 =	sshrl.u32 s1, $0x1  }
0xd: {  	s15 =	sshrl.u32 s4, $0x3;
	s16 =	sadd.s32 $0xA00, s4;
	s22 =	smul.u32 $0xA00, s8  }
0xe: {  	s17 =	sadd.s32 $0x1400, s4;
	s4 =	sadd.s32 s4, s11;
	s25 =	smul.u32 $0x280, s8  }
0xf: {  	s28 =	sor.u32 $0x60, s8;
	s1 =	ssub.s32 s1, s6;
	s0 =	sadd.s32 s5, s15  }
0x10: {  	[dreg:$0x7] =	wrdreg s4;
	s18 =	sshrl.u32 s16, $0x3;
	s9 =	sshrl.u32 s17, $0x3  }
0x11: {  	s20 =	sadd.s32 s17, s11;
	s6 =	simm.s32 $0x1D200;
	[dreg:$0x6] =	wrdreg s0  }
0x12: {  	s4 =	sadd.s32 s5, s18;
	s0 =	sadd.s32 s16, s11;
	s19 =	sadd.s32 s5, s9  }
0x13: {  	[dreg:$0xb] =	wrdreg s20;
	s18 =	sadd.s32 $0x10, s2;
	s26 =	sadd.s32 s2, s25  }
0x14: {  	s23 =	smax.u32 s1, $0x1;
	s5 =	simm.s32 $0x80;
	[dreg:$0x8] =	wrdreg s4  }
0x15: {  	s1 =	simm.s32 $0x100;
	s9 =	simm.s32 $0x2;
	[dreg:$0x9] =	wrdreg s0  }
0x16: {  	[dreg:$0xa] =	wrdreg s19;
	s4 =	sadd.s32 s24, s12;
	s0 =	sshrl.u32 s22, $0x2  }
.Ltmp0:
0x17: {  	[dreg:$0xf] =	wrdreg s26;
	s20 =	sadd.s32 s25, s18;
	(pc) =	sbr.rel .LBB2_1-.Ltmp0, $4  }
0x18: {  	s24 =	simm.s32 $0x3;
	s25 =	simm.s32 $0x4;
	s26 =	sor.u32 $0x40, s8  }
0x19: {  	[dreg:$0xe] =	wrdreg s4;
	s0 =	sadd.s32 $0x5000, s0;
	s24 =	simm.s32 @!p0 $0x4  }
0x1a: {  	s25 =	simm.s32 @!p0 $0x3;
	p0 =	sne.s32 s13, $0xF;
	s4 =	simm.s32 $0x1  }
0x1b: {  	s21 =	sadd.s32 s2, s0;
	s22 =	sadd.s32 s0, s18;
	s0 =	simm.s32 $0x1C800  }
.LBB2_17:
0x1c: {  	s10 =	sadd.s32 $0x1, s10  }
0x1d: {  	_ =	swait.ge [sflag:s24], $0xA00;
	p1 =	sne.s32 s10, s23  }
.Ltmp1:
0x1e: {  	[sflag:s24] =	ssyncset.done $0x0;
	(pc) =	sbr.rel @!p1 .LBB2_18-.Ltmp1, $4  }
0x1f: {  	[sflag:s24] =	ssyncadd.s32 $0xFFFFF600  }
0x20: {  	_ =	swait.ge [sflag:s25], $0xA00  }
0x21: {  	[sflag:s25] =	ssyncset.done $0x0  }
0x22: {  	[sflag:s25] =	ssyncadd.s32 $0xFFFFF600  }
.LBB2_1:
0x23: {  	s11 =	rddreg [dreg:$0x0]  }
0x24: {  	[tilespmem:s29], [sflag:$0x5] =	stream.linear.gather [hbm4b:s11+s7], $0x80, $0x38;
	[tilespmem:$0x1DC00] =	vst v63  }
0x25: {  	_ =	swait.ge [sflag:s30], $0x80  }
0x26: {  	[sflag:s30] =	ssyncset.done $0x0  }
0x27: {  	s19 =	rddreg [dreg:$0x6];
	[sflag:s30] =	ssyncadd.s32 $0xFFFFFF80  }
0x28: {  	[tilespmem:s31], [sflag:$0x5] =	stream.linear.gather [hbm4b:s19+s7], $0xA00, $0x38;
	[tilespmem:$0x1DC00] =	vst v63  }
0x29: {  	_ =	swait.ge [sflag:s30], $0xA00  }
0x2a: {  	[sflag:s30] =	ssyncset.done $0x0  }
0x2b: {  	s13 =	simm.s32 $0x0;
	[sflag:s30] =	ssyncadd.s32 $0xFFFFF600  }
0x2c: {  	v0 =	vld [tilespmem:s13+$0x1A030]  }
0x2d: {  	v1 =	vld [tilespmem:s13+$0x1A040]  }
0x2e: {  	v2 =	vld [tilespmem:s13+$0x1A020]  }
0x2f: {  	v3 =	vld [tilespmem:s13+$0x1A010]  }
0x30: {  	s11 =	simm.s32 $0x50;
	v4 =	vld [tilespmem:s13+$0x1A000]  }
0x31: {  	v5 =	vld [tilespmem:s11+$0x1A030]  }
0x32: {  	v9 =	vld [tilespmem:s11+$0x1A040]  }
0x33: {  	v12 =	vld [tilespmem:s11+$0x1A020]  }
0x34: {  	v13 =	vld [tilespmem:s11+$0x1A000]  }
0x35: {  	v14 =	vld [tilespmem:s11+$0x1A010]  }
0x36: {  	v2 =	vld.idx.msk [tilespmem:v2+s29+$0x0], $0xffff  }
0x37: {  	v3 =	vld.idx.msk [tilespmem:v3+s29+$0x0], $0xffff  }
0x38: {  	v0 =	vld.idx.msk [tilespmem:v0+s29+$0x0], $0xffff  }
0x39: {  	v4 =	vld.idx.msk [tilespmem:v4+s29+$0x0], $0xffff  }
0x3a: {  	s12 =	simm.s32 $0xA0;
	v15 =	vld.idx.msk [tilespmem:v1+s29+$0x0], $0xffff  }
0x3b: {  	v6 =	vld [tilespmem:s12+$0x1A030];
	[tilespmem:s13+$0x1C820] =	vst v2  }
0x3c: {  	v7 =	vld [tilespmem:s12+$0x1A040];
	[tilespmem:s13+$0x1C810] =	vst v3  }
0x3d: {  	v10 =	vld [tilespmem:s12+$0x1A020];
	[tilespmem:s13+$0x1C830] =	vst v0  }
0x3e: {  	v1 =	vadd.f32 v3, v4;
	v8 =	vld [tilespmem:s12+$0x1A000];
	[tilespmem:s13+$0x1C800] =	vst v4  }
0x3f: {  	v11 =	vld [tilespmem:s12+$0x1A010];
	[tilespmem:s13+$0x1C840] =	vst v15  }
0x40: {  	v1 =	vadd.f32 v2, v1;
	v3 =	vld.idx.msk [tilespmem:v12+s29+$0x0], $0xffff  }
0x41: {  	v4 =	vld.idx.msk [tilespmem:v14+s29+$0x0], $0xffff  }
0x42: {  	v63 =	vadd.f32 v0, v1;
	v2 =	vld.idx.msk [tilespmem:v5+s29+$0x0], $0xffff  }
0x43: {  	v5 =	vld.idx.msk [tilespmem:v13+s29+$0x0], $0xffff  }
0x44: {  	v0 =	vimm.f32 $0.0e+00;
	s13 =	simm.s32 $0x3C0;
	v1 =	vld.idx.msk [tilespmem:v9+s29+$0x0], $0xffff;
	v9 =	vadd.f32 v15, v63  }
.LBB2_2:
0x45: {  	s14 =	sshra.s32 s13, $0x2;
	p1 =	sne.s32 s13, $0x26C0;
	s13 =	sadd.s32 $0x140, s13  }
0x46: {  	v12 =	vld [tilespmem:s14+$0x1A030];
	[tilespmem:s11+$0x1C820] =	vst v3;
	v0 =	vadd.f32 v9, v0  }
0x47: {  	v13 =	vld [tilespmem:s14+$0x1A040];
	[tilespmem:s11+$0x1C810] =	vst v4  }
0x48: {  	v9 =	vld [tilespmem:s14+$0x1A020];
	[tilespmem:s11+$0x1C830] =	vst v2  }
0x49: {  	v4 =	vadd.f32 v4, v5;
	v14 =	vld [tilespmem:s14+$0x1A000];
	[tilespmem:s11+$0x1C800] =	vst v5  }
0x4a: {  	v15 =	vld [tilespmem:s14+$0x1A010];
	[tilespmem:s11+$0x1C840] =	vst v1;
	s11 =	smov.u32 s12;
	s12 =	smov.u32 s14  }
.Ltmp2:
0x4b: {  	v5 =	vadd.f32 v3, v4;
	v3 =	vld.idx.msk [tilespmem:v10+s29+$0x0], $0xffff;
	(pc) =	sbr.rel @p1 .LBB2_2-.Ltmp2, $4  }
0x4c: {  	v4 =	vld.idx.msk [tilespmem:v11+s29+$0x0], $0xffff  }
0x4d: {  	v16 =	vadd.f32 v2, v5;
	v2 =	vld.idx.msk [tilespmem:v6+s29+$0x0], $0xffff;
	v6 =	vmov v12;
	v10 =	vmov v9  }
0x4e: {  	v5 =	vld.idx.msk [tilespmem:v8+s29+$0x0], $0xffff;
	v8 =	vmov v14  }
0x4f: {  	v9 =	vadd.f32 v1, v16;
	v1 =	vld.idx.msk [tilespmem:v7+s29+$0x0], $0xffff;
	v7 =	vmov v13;
	v11 =	vmov v15  }
0x50: {  	[tilespmem:s11+$0x1C820] =	vst v3  }
0x51: {  	[tilespmem:s11+$0x1C810] =	vst v4  }
0x52: {  	[tilespmem:s11+$0x1C830] =	vst v2  }
0x53: {  	[tilespmem:s11+$0x1C800] =	vst v5  }
0x54: {  	[tilespmem:s11+$0x1C840] =	vst v1  }
0x55: {  	v12 =	vld.idx.msk [tilespmem:v10+s29+$0x0], $0xffff  }
0x56: {  	v11 =	vld.idx.msk [tilespmem:v11+s29+$0x0], $0xffff  }
0x57: {  	v13 =	vld.idx.msk [tilespmem:v6+s29+$0x0], $0xffff  }
0x58: {  	v8 =	vld.idx.msk [tilespmem:v8+s29+$0x0], $0xffff  }
0x59: {  	v14 =	vld.idx.msk [tilespmem:v7+s29+$0x0], $0xffff  }
0x5a: {  	[tilespmem:s12+$0x1C820] =	vst v12  }
0x5b: {  	[tilespmem:s12+$0x1C810] =	vst v11  }
0x5c: {  	[tilespmem:s12+$0x1C830] =	vst v13  }
0x5d: {  	[tilespmem:s12+$0x1C800] =	vst v8  }
0x5e: {  	s16 =	rddreg [dreg:$0x7];
	[tilespmem:s12+$0x1C840] =	vst v14  }
0x5f: {  	[spmem:s16] =	stream.linear.scatter [tilespmem:s0], [sflag:$0x5], $0xA00, $0x38;
	[tilespmem:$0x1DC00] =	vst v63  }
0x60: {  	_ =	swait.ge [sflag:s30], $0xA00  }
0x61: {  	[sflag:s30] =	ssyncset.done $0x0  }
0x62: {  	s17 =	simm.s32 $0x0;
	s19 =	rddreg [dreg:$0x8];
	[sflag:s30] =	ssyncadd.s32 $0xFFFFF600  }
0x63: {  	[tilespmem:s31], [sflag:$0x5] =	stream.linear.gather [hbm4b:s19+s17], $0xA00, $0x38;
	[tilespmem:$0x1DC00] =	vst v63  }
0x64: {  	_ =	swait.ge [sflag:s30], $0xA00  }
0x65: {  	[sflag:s30] =	ssyncset.done $0x0  }
0x66: {  	s13 =	simm.s32 $0x0;
	[sflag:s30] =	ssyncadd.s32 $0xFFFFF600  }
0x67: {  	v6 =	vld [tilespmem:s13+$0x1A030]  }
0x68: {  	v7 =	vld [tilespmem:s13+$0x1A040]  }
0x69: {  	v10 =	vld [tilespmem:s13+$0x1A020]  }
0x6a: {  	v15 =	vld [tilespmem:s13+$0x1A010]  }
0x6b: {  	s11 =	simm.s32 $0x50;
	v16 =	vld [tilespmem:s13+$0x1A000]  }
0x6c: {  	v17 =	vld [tilespmem:s11+$0x1A030]  }
0x6d: {  	v18 =	vld [tilespmem:s11+$0x1A040]  }
0x6e: {  	v19 =	vld [tilespmem:s11+$0x1A020]  }
0x6f: {  	v20 =	vld [tilespmem:s11+$0x1A000]  }
0x70: {  	v21 =	vld [tilespmem:s11+$0x1A010]  }
0x71: {  	v22 =	vld.idx.msk [tilespmem:v10+s29+$0x0], $0xffff  }
0x72: {  	v15 =	vld.idx.msk [tilespmem:v15+s29+$0x0], $0xffff  }
0x73: {  	v23 =	vld.idx.msk [tilespmem:v6+s29+$0x0], $0xffff  }
0x74: {  	v4 =	vadd.f32 v4, v5;
	v16 =	vld.idx.msk [tilespmem:v16+s29+$0x0], $0xffff  }
0x75: {  	s12 =	simm.s32 $0xA0;
	v24 =	vld.idx.msk [tilespmem:v7+s29+$0x0], $0xffff  }
0x76: {  	v3 =	vadd.f32 v3, v4;
	v6 =	vld [tilespmem:s12+$0x1A030];
	[tilespmem:s13+$0x1C820] =	vst v22  }
0x77: {  	v4 =	vadd.f32 v11, v8;
	v7 =	vld [tilespmem:s12+$0x1A040];
	[tilespmem:s13+$0x1C810] =	vst v15  }
0x78: {  	v2 =	vadd.f32 v2, v3;
	v10 =	vld [tilespmem:s12+$0x1A020];
	[tilespmem:s13+$0x1C830] =	vst v23  }
0x79: {  	v3 =	vadd.f32 v12, v4;
	v4 =	vadd.f32 v15, v16;
	v8 =	vld [tilespmem:s12+$0x1A000];
	[tilespmem:s13+$0x1C800] =	vst v16  }
0x7a: {  	v0 =	vadd.f32 v9, v0;
	v1 =	vadd.f32 v1, v2;
	v12 =	vld [tilespmem:s12+$0x1A010];
	[tilespmem:s13+$0x1C840] =	vst v24  }
0x7b: {  	v3 =	vadd.f32 v13, v3;
	v4 =	vadd.f32 v22, v4;
	v2 =	vld.idx.msk [tilespmem:v19+s29+$0x0], $0xffff  }
0x7c: {  	v0 =	vadd.f32 v1, v0;
	v5 =	vld.idx.msk [tilespmem:v21+s29+$0x0], $0xffff  }
0x7d: {  	v1 =	vadd.f32 v14, v3;
	v11 =	vadd.f32 v23, v4;
	v3 =	vld.idx.msk [tilespmem:v17+s29+$0x0], $0xffff  }
0x7e: {  	v9 =	vld.idx.msk [tilespmem:v20+s29+$0x0], $0xffff  }
0x7f: {  	v0 =	vadd.f32 v1, v0;
	v1 =	vimm.f32 $0.0e+00;
	s13 =	simm.s32 $0x3C0;
	v4 =	vld.idx.msk [tilespmem:v18+s29+$0x0], $0xffff;
	v11 =	vadd.f32 v24, v11  }
.LBB2_4:
0x80: {  	s14 =	sshra.s32 s13, $0x2;
	p1 =	sne.s32 s13, $0x26C0;
	s13 =	sadd.s32 $0x140, s13  }
0x81: {  	v13 =	vld [tilespmem:s14+$0x1A030];
	[tilespmem:s11+$0x1C820] =	vst v2;
	v1 =	vadd.f32 v11, v1  }
0x82: {  	v14 =	vld [tilespmem:s14+$0x1A040];
	[tilespmem:s11+$0x1C810] =	vst v5  }
0x83: {  	v11 =	vld [tilespmem:s14+$0x1A020];
	[tilespmem:s11+$0x1C830] =	vst v3  }
0x84: {  	v5 =	vadd.f32 v5, v9;
	v15 =	vld [tilespmem:s14+$0x1A000];
	[tilespmem:s11+$0x1C800] =	vst v9  }
0x85: {  	v16 =	vld [tilespmem:s14+$0x1A010];
	[tilespmem:s11+$0x1C840] =	vst v4;
	s11 =	smov.u32 s12;
	s12 =	smov.u32 s14  }
.Ltmp3:
0x86: {  	v9 =	vadd.f32 v2, v5;
	v2 =	vld.idx.msk [tilespmem:v10+s29+$0x0], $0xffff;
	(pc) =	sbr.rel @p1 .LBB2_4-.Ltmp3, $4  }
0x87: {  	v5 =	vld.idx.msk [tilespmem:v12+s29+$0x0], $0xffff  }
0x88: {  	v17 =	vadd.f32 v3, v9;
	v3 =	vld.idx.msk [tilespmem:v6+s29+$0x0], $0xffff;
	v6 =	vmov v13;
	v10 =	vmov v11  }
0x89: {  	v9 =	vld.idx.msk [tilespmem:v8+s29+$0x0], $0xffff;
	v8 =	vmov v15  }
0x8a: {  	v11 =	vadd.f32 v4, v17;
	v4 =	vld.idx.msk [tilespmem:v7+s29+$0x0], $0xffff;
	v7 =	vmov v14;
	v12 =	vmov v16  }
0x8b: {  	[tilespmem:s11+$0x1C820] =	vst v2  }
0x8c: {  	[tilespmem:s11+$0x1C810] =	vst v5  }
0x8d: {  	[tilespmem:s11+$0x1C830] =	vst v3  }
0x8e: {  	[tilespmem:s11+$0x1C800] =	vst v9  }
0x8f: {  	[tilespmem:s11+$0x1C840] =	vst v4  }
0x90: {  	v13 =	vld.idx.msk [tilespmem:v10+s29+$0x0], $0xffff  }
0x91: {  	v10 =	vld.idx.msk [tilespmem:v12+s29+$0x0], $0xffff  }
0x92: {  	v6 =	vld.idx.msk [tilespmem:v6+s29+$0x0], $0xffff  }
0x93: {  	v14 =	vld.idx.msk [tilespmem:v8+s29+$0x0], $0xffff  }
0x94: {  	v15 =	vld.idx.msk [tilespmem:v7+s29+$0x0], $0xffff  }
0x95: {  	[tilespmem:s12+$0x1C820] =	vst v13  }
0x96: {  	[tilespmem:s12+$0x1C810] =	vst v10  }
0x97: {  	[tilespmem:s12+$0x1C830] =	vst v6  }
0x98: {  	[tilespmem:s12+$0x1C800] =	vst v14  }
0x99: {  	s16 =	rddreg [dreg:$0x9];
	[tilespmem:s12+$0x1C840] =	vst v15  }
0x9a: {  	[spmem:s16] =	stream.linear.scatter [tilespmem:s0], [sflag:$0x5], $0xA00, $0x38;
	[tilespmem:$0x1DC00] =	vst v63  }
0x9b: {  	_ =	swait.ge [sflag:s30], $0xA00  }
0x9c: {  	[sflag:s30] =	ssyncset.done $0x0  }
0x9d: {  	s17 =	simm.s32 $0x0;
	s19 =	rddreg [dreg:$0xa];
	[sflag:s30] =	ssyncadd.s32 $0xFFFFF600  }
0x9e: {  	[tilespmem:s31], [sflag:$0x5] =	stream.linear.gather [hbm4b:s19+s17], $0x460, $0x38;
	[tilespmem:$0x1DC00] =	vst v63  }
0x9f: {  	_ =	swait.ge [sflag:s30], $0x460  }
0xa0: {  	[sflag:s30] =	ssyncset.done $0x0  }
0xa1: {  	s13 =	simm.s32 $0x0;
	[sflag:s30] =	ssyncadd.s32 $0xFFFFFBA0  }
0xa2: {  	v7 =	vld [tilespmem:s13+$0x1A030]  }
0xa3: {  	v8 =	vld [tilespmem:s13+$0x1A040]  }
0xa4: {  	v12 =	vld [tilespmem:s13+$0x1A020]  }
0xa5: {  	v16 =	vld [tilespmem:s13+$0x1A010]  }
0xa6: {  	s11 =	simm.s32 $0x50;
	v17 =	vld [tilespmem:s13+$0x1A000]  }
0xa7: {  	v18 =	vld [tilespmem:s11+$0x1A030]  }
0xa8: {  	v19 =	vld [tilespmem:s11+$0x1A040]  }
0xa9: {  	v20 =	vld [tilespmem:s11+$0x1A020]  }
0xaa: {  	v21 =	vld [tilespmem:s11+$0x1A000]  }
0xab: {  	v22 =	vld [tilespmem:s11+$0x1A010]  }
0xac: {  	v23 =	vld.idx.msk [tilespmem:v12+s29+$0x0], $0xffff  }
0xad: {  	v16 =	vld.idx.msk [tilespmem:v16+s29+$0x0], $0xffff  }
0xae: {  	v24 =	vld.idx.msk [tilespmem:v7+s29+$0x0], $0xffff  }
0xaf: {  	v5 =	vadd.f32 v5, v9;
	v17 =	vld.idx.msk [tilespmem:v17+s29+$0x0], $0xffff  }
0xb0: {  	s12 =	simm.s32 $0xA0;
	v25 =	vld.idx.msk [tilespmem:v8+s29+$0x0], $0xffff  }
0xb1: {  	v2 =	vadd.f32 v2, v5;
	v7 =	vld [tilespmem:s12+$0x1A030];
	[tilespmem:s13+$0x1C820] =	vst v23  }
0xb2: {  	v5 =	vadd.f32 v10, v14;
	v8 =	vld [tilespmem:s12+$0x1A040];
	[tilespmem:s13+$0x1C810] =	vst v16  }
0xb3: {  	v2 =	vadd.f32 v3, v2;
	v12 =	vld [tilespmem:s12+$0x1A020];
	[tilespmem:s13+$0x1C830] =	vst v24  }
0xb4: {  	v3 =	vadd.f32 v13, v5;
	v5 =	vadd.f32 v16, v17;
	v10 =	vld [tilespmem:s12+$0x1A000];
	[tilespmem:s13+$0x1C800] =	vst v17  }
0xb5: {  	v1 =	vadd.f32 v11, v1;
	v4 =	vadd.f32 v4, v2;
	v13 =	vld [tilespmem:s12+$0x1A010];
	[tilespmem:s13+$0x1C840] =	vst v25  }
0xb6: {  	v3 =	vadd.f32 v6, v3;
	v5 =	vadd.f32 v23, v5;
	v2 =	vld.idx.msk [tilespmem:v20+s29+$0x0], $0xffff  }
0xb7: {  	v1 =	vadd.f32 v4, v1;
	v6 =	vld.idx.msk [tilespmem:v22+s29+$0x0], $0xffff  }
0xb8: {  	v3 =	vadd.f32 v15, v3;
	v11 =	vadd.f32 v24, v5;
	v4 =	vld.idx.msk [tilespmem:v18+s29+$0x0], $0xffff  }
0xb9: {  	v9 =	vld.idx.msk [tilespmem:v21+s29+$0x0], $0xffff  }
0xba: {  	v1 =	vadd.f32 v3, v1;
	v3 =	vimm.f32 $0.0e+00;
	s13 =	simm.s32 $0x3C0;
	v5 =	vld.idx.msk [tilespmem:v19+s29+$0x0], $0xffff;
	v11 =	vadd.f32 v25, v11  }
.LBB2_6:
0xbb: {  	s14 =	sshra.s32 s13, $0x2;
	p1 =	sne.s32 s13, $0x1040;
	s13 =	sadd.s32 $0x140, s13  }
0xbc: {  	v14 =	vld [tilespmem:s14+$0x1A030];
	[tilespmem:s11+$0x1C820] =	vst v2;
	v3 =	vadd.f32 v11, v3  }
0xbd: {  	v15 =	vld [tilespmem:s14+$0x1A040];
	[tilespmem:s11+$0x1C810] =	vst v6  }
0xbe: {  	v11 =	vld [tilespmem:s14+$0x1A020];
	[tilespmem:s11+$0x1C830] =	vst v4  }
0xbf: {  	v6 =	vadd.f32 v6, v9;
	v16 =	vld [tilespmem:s14+$0x1A000];
	[tilespmem:s11+$0x1C800] =	vst v9  }
0xc0: {  	v17 =	vld [tilespmem:s14+$0x1A010];
	[tilespmem:s11+$0x1C840] =	vst v5;
	s11 =	smov.u32 s12;
	s12 =	smov.u32 s14  }
.Ltmp4:
0xc1: {  	v9 =	vadd.f32 v2, v6;
	v2 =	vld.idx.msk [tilespmem:v12+s29+$0x0], $0xffff;
	(pc) =	sbr.rel @p1 .LBB2_6-.Ltmp4, $4  }
0xc2: {  	v6 =	vld.idx.msk [tilespmem:v13+s29+$0x0], $0xffff  }
0xc3: {  	v18 =	vadd.f32 v4, v9;
	v4 =	vld.idx.msk [tilespmem:v7+s29+$0x0], $0xffff;
	v7 =	vmov v14;
	v12 =	vmov v11  }
0xc4: {  	v9 =	vld.idx.msk [tilespmem:v10+s29+$0x0], $0xffff;
	v10 =	vmov v16  }
0xc5: {  	v11 =	vadd.f32 v5, v18;
	v5 =	vld.idx.msk [tilespmem:v8+s29+$0x0], $0xffff;
	v8 =	vmov v15;
	v13 =	vmov v17  }
0xc6: {  	[tilespmem:s11+$0x1C820] =	vst v2  }
0xc7: {  	[tilespmem:s11+$0x1C810] =	vst v6  }
0xc8: {  	[tilespmem:s11+$0x1C830] =	vst v4  }
0xc9: {  	[tilespmem:s11+$0x1C800] =	vst v9  }
0xca: {  	[tilespmem:s11+$0x1C840] =	vst v5  }
0xcb: {  	v12 =	vld.idx.msk [tilespmem:v12+s29+$0x0], $0xffff  }
0xcc: {  	v13 =	vld.idx.msk [tilespmem:v13+s29+$0x0], $0xffff  }
0xcd: {  	v7 =	vld.idx.msk [tilespmem:v7+s29+$0x0], $0xffff  }
0xce: {  	v10 =	vld.idx.msk [tilespmem:v10+s29+$0x0], $0xffff  }
0xcf: {  	v8 =	vld.idx.msk [tilespmem:v8+s29+$0x0], $0xffff  }
0xd0: {  	[tilespmem:s12+$0x1C820] =	vst v12  }
0xd1: {  	[tilespmem:s12+$0x1C810] =	vst v13  }
0xd2: {  	[tilespmem:s12+$0x1C830] =	vst v7  }
0xd3: {  	[tilespmem:s12+$0x1C800] =	vst v10  }
0xd4: {  	s16 =	rddreg [dreg:$0xb];
	[tilespmem:s12+$0x1C840] =	vst v8  }
0xd5: {  	[spmem:s16] =	stream.linear.scatter [tilespmem:s0], [sflag:$0x5], $0x460, $0x38;
	[tilespmem:$0x1DC00] =	vst v63  }
0xd6: {  	_ =	swait.ge [sflag:s30], $0x460  }
0xd7: {  	s11 =	simm.s32 @!p0 $0x0;
	[sflag:s30] =	ssyncset.done $0x0  }
0xd8: {  	s12 =	simm.s32 @!p0 $0x1A000;
	s13 =	rddreg [dreg:$0xc];
	[sflag:s30] =	ssyncadd.s32 $0xFFFFFBA0  }
0xd9: {  	[tilespmem:s12], [sflag:$0x5] =	stream.linear.gather @!p0 [hbm4b:s13+s11], $0xA0, $0x38;
	[tilespmem:$0x1DC00] =	vst v63  }
0xda: {  	s11 =	simm.s32 @!p0 $0x5  }
0xdb: {  	_ =	swait.ge @!p0 [sflag:s11], $0xA0  }
0xdc: {  	[sflag:s11] =	ssyncset.done @!p0 $0x0  }
0xdd: {  	[sflag:s11] =	ssyncadd.s32 @!p0 $0xFFFFFF60  }
0xde: {  	v14 =	vld @!p0 [tilespmem:$0x1A000]  }
0xdf: {  	v15 =	vld @!p0 [tilespmem:$0x1A010]  }
0xe0: {  	v16 =	vld @!p0 [tilespmem:$0x1A020]  }
0xe1: {  	v17 =	vld @!p0 [tilespmem:$0x1A030]  }
0xe2: {  	v18 =	vld @!p0 [tilespmem:$0x1A040];
	_ =	sdelay $0x1  }
0xe3: {  	v19 =	vld @!p0 [tilespmem:$0x1A050]  }
0xe4: {  	s12 =	simm.s32 @!p0 $0x19F80;
	v20 =	vld @!p0 [tilespmem:$0x1A060]  }
0xe5: {  	v14 =	vld.idx.msk @!p0 [tilespmem:v14+s12+$0x0], $0xffff  }
0xe6: {  	v15 =	vld.idx.msk @!p0 [tilespmem:v15+s12+$0x0], $0xffff  }
0xe7: {  	v16 =	vld.idx.msk @!p0 [tilespmem:v16+s12+$0x0], $0xffff  }
0xe8: {  	v17 =	vld.idx.msk @!p0 [tilespmem:v17+s12+$0x0], $0xffff  }
0xe9: {  	v18 =	vld.idx.msk @!p0 [tilespmem:v18+s12+$0x0], $0xffff  }
0xea: {  	v21 =	vld @!p0 [tilespmem:$0x1A070];
	[tilespmem:$0x1C800] =	vst @!p0 v14  }
0xeb: {  	[tilespmem:$0x1C810] =	vst @!p0 v15  }
0xec: {  	v22 =	vld @!p0 [tilespmem:$0x1A080];
	[tilespmem:$0x1C820] =	vst @!p0 v16  }
0xed: {  	[tilespmem:$0x1C830] =	vst @!p0 v17  }
0xee: {  	v62 =	vadd.f32 v6, v9;
	v9 =	vld @!p0 [tilespmem:$0x1A090];
	[tilespmem:$0x1C840] =	vst @!p0 v18  }
0xef: {  	v19 =	vld.idx.msk @!p0 [tilespmem:v19+s12+$0x0], $0xffff  }
0xf0: {  	v2 =	vadd.f32 v2, v62;
	v6 =	vld.idx.msk @!p0 [tilespmem:v20+s12+$0x0], $0xffff;
	_ =	sdelay $0x1  }
0xf1: {  	v2 =	vadd.f32 v4, v2;
	v63 =	vadd.f32 v13, v10;
	v10 =	vld.idx.msk @!p0 [tilespmem:v21+s12+$0x0], $0xffff  }
0xf2: {  	v3 =	vadd.f32 v11, v3;
	v11 =	vadd.f32 @!p0 v15, v14  }
0xf3: {  	v2 =	vadd.f32 v5, v2;
	v4 =	vadd.f32 v12, v63;
	v5 =	vld.idx.msk @!p0 [tilespmem:v22+s12+$0x0], $0xffff  }
0xf4: {  	v11 =	vadd.f32 @!p0 v16, v11;
	v12 =	vadd.f32 @!p0 v6, v19  }
0xf5: {  	v2 =	vadd.f32 v2, v3;
	v3 =	vadd.f32 v7, v4;
	v4 =	vld.idx.msk @!p0 [tilespmem:v9+s12+$0x0], $0xffff  }
0xf6: {  	v7 =	vadd.f32 @!p0 v17, v11;
	v9 =	vadd.f32 @!p0 v10, v12  }
0xf7: {  	v0 =	vadd.f32 $0.0e+00, v0;
	v3 =	vadd.f32 v8, v3  }
0xf8: {  	v7 =	vadd.f32 @!p0 v18, v7;
	[tilespmem:$0x1C850] =	vst @!p0 v19;
	v8 =	vadd.f32 @!p0 v5, v9  }
0xf9: {  	v0 =	vadd.f32 v1, v0;
	v2 =	vadd.f32 v3, v2;
	[tilespmem:$0x1C860] =	vst @!p0 v6  }
0xfa: {  	[tilespmem:$0x1C870] =	vst @!p0 v10;
	v1 =	vadd.f32 @!p0 $0.0e+00, v7;
	v3 =	vadd.f32 @!p0 v4, v8  }
0xfb: {  	[tilespmem:$0x1C880] =	vst @!p0 v5  }
0xfc: {  	s13 =	rddreg [dreg:$0xd];
	v0 =	vadd.f32 v2, v0;
	s12 =	simm.s32 @!p0 $0x1C800;
	[tilespmem:$0x1C890] =	vst @!p0 v4;
	v1 =	vadd.f32 @!p0 v3, v1  }
0xfd: {  	[spmem:s13] =	stream.linear.scatter @!p0 [tilespmem:s12], [sflag:$0x5], $0xA0, $0x38;
	[tilespmem:$0x1DC00] =	vst v63  }
0xfe: {  	_ =	swait.ge @!p0 [sflag:s11], $0xA0;
	v1 =	vadd.f32 @!p0 v1, v0  }
0xff: {  	[sflag:s11] =	ssyncset.done @!p0 $0x0  }
0x100: {  	[sflag:s11] =	ssyncadd.s32 @!p0 $0xFFFFFF60;
	v0 =	vpsel p0, v0, v1  }
0x101: {  	s17 =	rddreg [dreg:$0xe];
	[tilespmem:$0x1C800] =	vst v0  }
0x102: {  	[spmem:s17] =	stream.linear.scatter [tilespmem:s0], [sflag:$0x5], $0x10, $0x38;
	[tilespmem:$0x1DC00] =	vst v63  }
0x103: {  	_ =	swait.ge [sflag:s30], $0x10  }
0x104: {  	[sflag:s30] =	ssyncset.done $0x0  }
0x105: {  	[sflag:s30] =	ssyncadd.s32 $0xFFFFFFF0  }
0x106: {  	[bflag:$0x0] =	sbarrier.arrive $0xFFFF  }
0x107: {  	s11 =	simm.s32 $0x0;
	s19 =	rddreg [dreg:$0x3]  }
0x108: {  	[tilespmem:s11], [sflag:$0x5] =	stream.linear.gather [spmem:s19], $0x18700, $0x38;
	[tilespmem:$0x1DC00] =	vst v63  }
0x109: {  	_ =	swait.ge [sflag:s30], $0x18700  }
0x10a: {  	[sflag:s30] =	ssyncset.done $0x0  }
0x10b: {  	[sflag:s30] =	ssyncadd.s32 $0xFFFE7900  }
0x10c: {  	s13 =	rddreg [dreg:$0x4]  }
0x10d: {  	[tilespmem:s6], [sflag:$0x5] =	stream.linear.gather [spmem:s13], $0x100, $0x38;
	[tilespmem:$0x1DC00] =	vst v63  }
0x10e: {  	_ =	swait.ge [sflag:s30], $0x100  }
0x10f: {  	[sflag:s30] =	ssyncset.done $0x0  }
0x110: {  	[sflag:s30] =	ssyncadd.s32 $0xFFFFFF00  }
0x111: {  	v0 =	vld [tilespmem:$0x1D200];
	_ =	sdelay $0x1  }
0x112: {  	v1 =	vld [tilespmem:$0x1D210];
	_ =	sdelay $0x1  }
0x113: {  	v2 =	vld [tilespmem:$0x1D220]  }
0x114: {  	v0 =	vadd.f32 $0.0e+00, v0  }
0x115: {  	v3 =	vld [tilespmem:$0x1D230]  }
0x116: {  	v0 =	vadd.f32 v1, v0  }
0x117: {  	v1 =	vld [tilespmem:$0x1D240]  }
0x118: {  	v0 =	vadd.f32 v2, v0  }
0x119: {  	v2 =	vld [tilespmem:$0x1D250]  }
0x11a: {  	v0 =	vadd.f32 v3, v0  }
0x11b: {  	v3 =	vld [tilespmem:$0x1D260]  }
0x11c: {  	v0 =	vadd.f32 v1, v0  }
0x11d: {  	v1 =	vld [tilespmem:$0x1D270]  }
0x11e: {  	v0 =	vadd.f32 v2, v0  }
0x11f: {  	v2 =	vld [tilespmem:$0x1D280]  }
0x120: {  	v0 =	vadd.f32 v3, v0  }
0x121: {  	v3 =	vld [tilespmem:$0x1D290]  }
0x122: {  	v0 =	vadd.f32 v1, v0  }
0x123: {  	v1 =	vld [tilespmem:$0x1D2A0]  }
0x124: {  	v0 =	vadd.f32 v2, v0  }
0x125: {  	v2 =	vld [tilespmem:$0x1D2B0]  }
0x126: {  	v0 =	vadd.f32 v3, v0  }
0x127: {  	v3 =	vld [tilespmem:$0x1D2C0]  }
0x128: {  	v0 =	vadd.f32 v1, v0  }
0x129: {  	v1 =	vld [tilespmem:$0x1D2D0]  }
0x12a: {  	v0 =	vadd.f32 v2, v0  }
0x12b: {  	v2 =	vld [tilespmem:$0x1D2E0]  }
0x12c: {  	v0 =	vadd.f32 v3, v0  }
0x12d: {  	v3 =	vld [tilespmem:$0x1D2F0]  }
0x12e: {  	v0 =	vadd.f32 v1, v0;
	_ =	sdelay $0x1  }
0x12f: {  	v0 =	vadd.f32 v2, v0;
	_ =	sdelay $0x1  }
0x130: {  	v0 =	vadd.f32 v3, v0;
	_ =	sdelay $0x1  }
0x131: {  	(xrf2) =	vadd.scan.msk.f32 $0xffff, v0;
	_ =	sdelay $0x9  }
0x132: {  	v0, _, _ =	vpop (xrf2)  }
0x133: {  	(v2sf) =	vpush v0, $0xF;
	_ =	sdelay $0x7  }
0x134: {  	s14 =	rddreg [dreg:$0xf]  }
0x135: {  	[tilespmem:s31], [sflag:$0x1] =	stream.strided.gather [hbm4b:s14+s5], $0xA00, s1, s5, $0x38;
	[tilespmem:$0x1DC00] =	vst v63  }
0x136: {  	s15 =	simm.s32 $0x1B400  }
0x137: {  	[tilespmem:s15], [sflag:$0x1] =	stream.strided.gather [hbm4b:s20+s5], $0xA00, s1, s5, $0x38;
	[tilespmem:$0x1DC00] =	vst v63  }
0x138: {  	s17 =	simm.s32 $0x1AA00  }
0x139: {  	[tilespmem:s17], [sflag:$0x2] =	stream.strided.gather [hbm4b:s21+s5], $0xA00, s1, s5, $0x38;
	[tilespmem:$0x1DC00] =	vst v63  }
.Ltmp5:
0x13a: {  	_ = 	snop;
	(pc) =	sbr.rel .LBB2_8-.Ltmp5, $4  }
0x13b: {  	s16 =	spop (v2sf)  }
0x13c: {  	s12 =	smul.f32 $9.999999740e-06, s16  }
0x13d: {  	s19 =	simm.s32 $0x1BE00  }
0x13e: {  	[tilespmem:s19], [sflag:$0x2] =	stream.strided.gather [hbm4b:s22+s5], $0xA00, s1, s5, $0x38;
	v0 =	vmov s12;
	[tilespmem:$0x1DC00] =	vst v63  }
.LBB2_16:
0x13f: {  	s11 =	sadd.s32 $0x1, s11  }
0x140: {  	p1 =	sne.s32 s11, $0x28  }
.Ltmp6:
0x141: {  	_ = 	snop;
	(pc) =	sbr.rel @!p1 .LBB2_17-.Ltmp6, $1  }
0x142: {  	_ =	sdelay $0x3  }
.LBB2_8:
0x143: {  	s12 =	sshll.u32 s11, $0x6  }
0x144: {  	s13 =	sor.u32 s8, s12  }
0x145: {  	p1 =	sgt.u32 s13, $0x9C3  }
.Ltmp7:
0x146: {  	_ = 	snop;
	(pc) =	sbr.rel @p1 .LBB2_12-.Ltmp7, $1  }
0x147: {  	_ =	sdelay $0x3  }
0x148: {  	_ =	swait.ge [sflag:s4], $0xA00  }
0x149: {  	[sflag:s4] =	ssyncset.done $0x0  }
0x14a: {  	[sflag:s4] =	ssyncadd.s32 $0xFFFFF600  }
0x14b: {  	_ =	swait.ge [sflag:s4], $0xA00  }
0x14c: {  	p1 =	seq.s32 s11, $0x0;
	[sflag:s4] =	ssyncset.done $0x0  }
0x14d: {  	s14 =	simm.s32 @!p1 $0x3;
	[sflag:s4] =	ssyncadd.s32 $0xFFFFF600  }
0x14e: {  	_ =	swait.ge @!p1 [sflag:s14], $0xA00  }
0x14f: {  	[sflag:s14] =	ssyncset.done @!p1 $0x0  }
0x150: {  	[sflag:s14] =	ssyncadd.s32 @!p1 $0xFFFFF600;
	s14 =	simm.s32 $0x0  }
0x151: {  	v1 =	vld [tilespmem:s14+$0x1B440]  }
0x152: {  	v2 =	vld [tilespmem:s14+$0x1B420]  }
0x153: {  	v3 =	vld [tilespmem:s14+$0x1A040]  }
0x154: {  	v11 =	vld [tilespmem:s14+$0x1B400]  }
0x155: {  	v5 =	vld [tilespmem:s14+$0x1A010]  }
0x156: {  	v7 =	vld [tilespmem:s14+$0x1A030]  }
0x157: {  	v8 =	vld [tilespmem:s14+$0x1B430]  }
0x158: {  	v12 =	vld [tilespmem:s14+$0x1B410]  }
0x159: {  	v13 =	vld [tilespmem:s14+$0x1A020]  }
0x15a: {  	v4 =	vld [tilespmem:s14+$0x1A000]  }
0x15b: {  	v1 =	vld.idx.msk [tilespmem:v1+s7+$0x0], $0xffff  }
0x15c: {  	v2 =	vld.idx.msk [tilespmem:v2+s7+$0x0], $0xffff  }
0x15d: {  	v6 =	vld.idx.msk [tilespmem:v5+s7+$0x0], $0xffff  }
0x15e: {  	v9 =	vld.idx.msk [tilespmem:v7+s7+$0x0], $0xffff  }
0x15f: {  	v10 =	vld.idx.msk [tilespmem:v8+s7+$0x0], $0xffff  }
0x160: {  	v8 =	vld.idx.msk [tilespmem:v12+s7+$0x0], $0xffff  }
0x161: {  	v7 =	vld.idx.msk [tilespmem:v13+s7+$0x0], $0xffff  }
0x162: {  	v5 =	vld.idx.msk [tilespmem:v3+s7+$0x0], $0xffff  }
0x163: {  	s15 =	simm.s32 $0x140;
	v3 =	vld.idx.msk [tilespmem:v11+s7+$0x0], $0xffff  }
.LBB2_10:
0x164: {  	s16 =	sshra.s32 s15, $0x2;
	p1 =	sne.s32 s15, $0x26C0;
	s15 =	sadd.s32 $0x140, s15;
	v4 =	vld.idx.msk [tilespmem:v4+s7+$0x0], $0xffff  }
0x165: {  	v9 =	vsub.f32 v9, v0;
	v10 =	vsub.f32 v10, v0;
	v11 =	vld [tilespmem:s16+$0x1B440]  }
0x166: {  	v6 =	vsub.f32 v6, v0;
	v8 =	vsub.f32 v8, v0;
	v12 =	vld [tilespmem:s16+$0x1B420]  }
0x167: {  	v2 =	vsub.f32 v2, v0;
	v7 =	vsub.f32 v7, v0;
	v9 =	vmul.f32 v10, v9;
	v13 =	vld [tilespmem:s16+$0x1A040]  }
0x168: {  	v1 =	vsub.f32 v1, v0;
	v6 =	vmul.f32 v8, v6;
	v5 =	vsub.f32 v5, v0;
	v14 =	vld [tilespmem:s16+$0x1B400]  }
0x169: {  	v3 =	vsub.f32 v3, v0;
	v2 =	vmul.f32 v2, v7;
	v8 =	vld [tilespmem:s16+$0x1A010];
	[tilespmem:s14+$0x1C830] =	vst v9  }
0x16a: {  	v4 =	vsub.f32 v4, v0;
	v1 =	vmul.f32 v1, v5;
	v7 =	vld [tilespmem:s16+$0x1A030];
	[tilespmem:s14+$0x1C810] =	vst v6  }
0x16b: {  	v5 =	vld [tilespmem:s16+$0x1B430];
	[tilespmem:s14+$0x1C820] =	vst v2  }
0x16c: {  	v2 =	vmul.f32 v3, v4;
	v15 =	vld [tilespmem:s16+$0x1B410];
	[tilespmem:s14+$0x1C840] =	vst v1  }
0x16d: {  	v3 =	vld [tilespmem:s16+$0x1A020]  }
0x16e: {  	v4 =	vld [tilespmem:s16+$0x1A000];
	[tilespmem:s14+$0x1C800] =	vst v2;
	s14 =	smov.u32 s16  }
0x16f: {  	v1 =	vld.idx.msk [tilespmem:v11+s7+$0x0], $0xffff  }
0x170: {  	v2 =	vld.idx.msk [tilespmem:v12+s7+$0x0], $0xffff  }
0x171: {  	v6 =	vld.idx.msk [tilespmem:v8+s7+$0x0], $0xffff  }
0x172: {  	v9 =	vld.idx.msk [tilespmem:v7+s7+$0x0], $0xffff  }
.Ltmp8:
0x173: {  	v10 =	vld.idx.msk [tilespmem:v5+s7+$0x0], $0xffff;
	(pc) =	sbr.rel @p1 .LBB2_10-.Ltmp8, $4  }
0x174: {  	v8 =	vld.idx.msk [tilespmem:v15+s7+$0x0], $0xffff  }
0x175: {  	v7 =	vld.idx.msk [tilespmem:v3+s7+$0x0], $0xffff  }
0x176: {  	v5 =	vld.idx.msk [tilespmem:v13+s7+$0x0], $0xffff  }
0x177: {  	v3 =	vld.idx.msk [tilespmem:v14+s7+$0x0], $0xffff  }
0x178: {  	_ =	sdelay $0x3  }
0x179: {  	v4 =	vld.idx.msk [tilespmem:v4+s7+$0x0], $0xffff  }
0x17a: {  	v9 =	vsub.f32 v9, v0;
	v10 =	vsub.f32 v10, v0  }
0x17b: {  	v6 =	vsub.f32 v6, v0;
	v8 =	vsub.f32 v8, v0  }
0x17c: {  	v2 =	vsub.f32 v2, v0;
	v7 =	vsub.f32 v7, v0;
	v9 =	vmul.f32 v10, v9  }
0x17d: {  	v1 =	vsub.f32 v1, v0;
	v6 =	vmul.f32 v8, v6;
	v5 =	vsub.f32 v5, v0  }
0x17e: {  	v3 =	vsub.f32 v3, v0;
	v2 =	vmul.f32 v2, v7;
	[tilespmem:s14+$0x1C830] =	vst v9;
	v4 =	vsub.f32 v4, v0  }
0x17f: {  	v1 =	vmul.f32 v1, v5;
	[tilespmem:s14+$0x1C810] =	vst v6  }
0x180: {  	s15 =	smul.u32 $0x140, s13;
	s16 =	sadd.s32 s26, s12;
	[tilespmem:s14+$0x1C820] =	vst v2;
	v2 =	vmul.f32 v3, v4  }
0x181: {  	p1 =	sgt.u32 s16, $0x9C3;
	[tilespmem:s14+$0x1C840] =	vst v1  }
0x182: {  	s19 =	sadd.s32 s3, s15;
	s15 =	smul.u32 @!p1 $0x280, s16;
	s16 =	simm.s32 @!p1 $0x80;
	[tilespmem:s14+$0x1C800] =	vst v2  }
0x183: {  	[hbm4b:s19+s7] =	stream.linear.scatter [tilespmem:s0], [sflag:$0x3], $0xA00, $0x38;
	[tilespmem:$0x1DC00] =	vst v63  }
0x184: {  	s17 =	simm.s32 @!p1 $0x100;
	s14 =	sadd.s32 @!p1 s2, s15;
	s19 =	simm.s32 @!p1 $0x1A000  }
0x185: {  	[tilespmem:s19], [sflag:$0x1] =	stream.strided.gather @!p1 [hbm4b:s14+s16], $0xA00, s17, s16, $0x38;
	[tilespmem:$0x1DC00] =	vst v63  }
0x186: {  	s14 =	sadd.s32 @!p1 s15, s18;
	s15 =	simm.s32 @!p1 $0x1B400  }
0x187: {  	[tilespmem:s15], [sflag:$0x1] =	stream.strided.gather @!p1 [hbm4b:s14+s16], $0xA00, s17, s16, $0x38;
	[tilespmem:$0x1DC00] =	vst v63  }
.LBB2_12:
0x188: {  	s13 =	sor.u32 $0x20, s13  }
0x189: {  	p1 =	sgt.u32 s13, $0x9C3  }
.Ltmp9:
0x18a: {  	_ = 	snop;
	(pc) =	sbr.rel @p1 .LBB2_16-.Ltmp9, $1  }
0x18b: {  	_ =	sdelay $0x3  }
0x18c: {  	_ =	swait.ge [sflag:s9], $0xA00  }
0x18d: {  	[sflag:s9] =	ssyncset.done $0x0  }
0x18e: {  	[sflag:s9] =	ssyncadd.s32 $0xFFFFF600  }
0x18f: {  	_ =	swait.ge [sflag:s9], $0xA00  }
0x190: {  	p1 =	seq.s32 s11, $0x0;
	[sflag:s9] =	ssyncset.done $0x0  }
0x191: {  	s14 =	simm.s32 @!p1 $0x4;
	[sflag:s9] =	ssyncadd.s32 $0xFFFFF600  }
0x192: {  	_ =	swait.ge @!p1 [sflag:s14], $0xA00  }
0x193: {  	[sflag:s14] =	ssyncset.done @!p1 $0x0  }
0x194: {  	[sflag:s14] =	ssyncadd.s32 @!p1 $0xFFFFF600;
	s14 =	simm.s32 $0x0  }
0x195: {  	v1 =	vld [tilespmem:s14+$0x1BE40]  }
0x196: {  	v2 =	vld [tilespmem:s14+$0x1BE20]  }
0x197: {  	v3 =	vld [tilespmem:s14+$0x1AA40]  }
0x198: {  	v11 =	vld [tilespmem:s14+$0x1BE00]  }
0x199: {  	v5 =	vld [tilespmem:s14+$0x1AA10]  }
0x19a: {  	v7 =	vld [tilespmem:s14+$0x1AA30]  }
0x19b: {  	v8 =	vld [tilespmem:s14+$0x1BE30]  }
0x19c: {  	v12 =	vld [tilespmem:s14+$0x1BE10]  }
0x19d: {  	v13 =	vld [tilespmem:s14+$0x1AA20]  }
0x19e: {  	v4 =	vld [tilespmem:s14+$0x1AA00]  }
0x19f: {  	v1 =	vld.idx.msk [tilespmem:v1+s7+$0x0], $0xffff  }
0x1a0: {  	v2 =	vld.idx.msk [tilespmem:v2+s7+$0x0], $0xffff  }
0x1a1: {  	v6 =	vld.idx.msk [tilespmem:v5+s7+$0x0], $0xffff  }
0x1a2: {  	v9 =	vld.idx.msk [tilespmem:v7+s7+$0x0], $0xffff  }
0x1a3: {  	v10 =	vld.idx.msk [tilespmem:v8+s7+$0x0], $0xffff  }
0x1a4: {  	v8 =	vld.idx.msk [tilespmem:v12+s7+$0x0], $0xffff  }
0x1a5: {  	v7 =	vld.idx.msk [tilespmem:v13+s7+$0x0], $0xffff  }
0x1a6: {  	v5 =	vld.idx.msk [tilespmem:v3+s7+$0x0], $0xffff  }
0x1a7: {  	s15 =	simm.s32 $0x140;
	v3 =	vld.idx.msk [tilespmem:v11+s7+$0x0], $0xffff  }
.LBB2_14:
0x1a8: {  	s16 =	sshra.s32 s15, $0x2;
	p1 =	sne.s32 s15, $0x26C0;
	s15 =	sadd.s32 $0x140, s15;
	v4 =	vld.idx.msk [tilespmem:v4+s7+$0x0], $0xffff  }
0x1a9: {  	v9 =	vsub.f32 v9, v0;
	v10 =	vsub.f32 v10, v0;
	v11 =	vld [tilespmem:s16+$0x1BE40]  }
0x1aa: {  	v6 =	vsub.f32 v6, v0;
	v8 =	vsub.f32 v8, v0;
	v12 =	vld [tilespmem:s16+$0x1BE20]  }
0x1ab: {  	v2 =	vsub.f32 v2, v0;
	v7 =	vsub.f32 v7, v0;
	v9 =	vmul.f32 v10, v9;
	v13 =	vld [tilespmem:s16+$0x1AA40]  }
0x1ac: {  	v1 =	vsub.f32 v1, v0;
	v6 =	vmul.f32 v8, v6;
	v5 =	vsub.f32 v5, v0;
	v14 =	vld [tilespmem:s16+$0x1BE00]  }
0x1ad: {  	v3 =	vsub.f32 v3, v0;
	v2 =	vmul.f32 v2, v7;
	v8 =	vld [tilespmem:s16+$0x1AA10];
	[tilespmem:s14+$0x1D230] =	vst v9  }
0x1ae: {  	v4 =	vsub.f32 v4, v0;
	v1 =	vmul.f32 v1, v5;
	v7 =	vld [tilespmem:s16+$0x1AA30];
	[tilespmem:s14+$0x1D210] =	vst v6  }
0x1af: {  	v5 =	vld [tilespmem:s16+$0x1BE30];
	[tilespmem:s14+$0x1D220] =	vst v2  }
0x1b0: {  	v2 =	vmul.f32 v3, v4;
	v15 =	vld [tilespmem:s16+$0x1BE10];
	[tilespmem:s14+$0x1D240] =	vst v1  }
0x1b1: {  	v3 =	vld [tilespmem:s16+$0x1AA20]  }
0x1b2: {  	v4 =	vld [tilespmem:s16+$0x1AA00];
	[tilespmem:s14+$0x1D200] =	vst v2;
	s14 =	smov.u32 s16  }
0x1b3: {  	v1 =	vld.idx.msk [tilespmem:v11+s7+$0x0], $0xffff  }
0x1b4: {  	v2 =	vld.idx.msk [tilespmem:v12+s7+$0x0], $0xffff  }
0x1b5: {  	v6 =	vld.idx.msk [tilespmem:v8+s7+$0x0], $0xffff  }
0x1b6: {  	v9 =	vld.idx.msk [tilespmem:v7+s7+$0x0], $0xffff  }
.Ltmp10:
0x1b7: {  	v10 =	vld.idx.msk [tilespmem:v5+s7+$0x0], $0xffff;
	(pc) =	sbr.rel @p1 .LBB2_14-.Ltmp10, $4  }
0x1b8: {  	v8 =	vld.idx.msk [tilespmem:v15+s7+$0x0], $0xffff  }
0x1b9: {  	v7 =	vld.idx.msk [tilespmem:v3+s7+$0x0], $0xffff  }
0x1ba: {  	v5 =	vld.idx.msk [tilespmem:v13+s7+$0x0], $0xffff  }
0x1bb: {  	v3 =	vld.idx.msk [tilespmem:v14+s7+$0x0], $0xffff  }
0x1bc: {  	_ =	sdelay $0x3  }
0x1bd: {  	v4 =	vld.idx.msk [tilespmem:v4+s7+$0x0], $0xffff  }
0x1be: {  	v9 =	vsub.f32 v9, v0;
	v10 =	vsub.f32 v10, v0  }
0x1bf: {  	v6 =	vsub.f32 v6, v0;
	v8 =	vsub.f32 v8, v0  }
0x1c0: {  	v2 =	vsub.f32 v2, v0;
	v7 =	vsub.f32 v7, v0;
	v9 =	vmul.f32 v10, v9  }
0x1c1: {  	v1 =	vsub.f32 v1, v0;
	v6 =	vmul.f32 v8, v6;
	v5 =	vsub.f32 v5, v0  }
0x1c2: {  	v3 =	vsub.f32 v3, v0;
	v2 =	vmul.f32 v2, v7;
	[tilespmem:s14+$0x1D230] =	vst v9;
	v4 =	vsub.f32 v4, v0  }
0x1c3: {  	v1 =	vmul.f32 v1, v5;
	[tilespmem:s14+$0x1D210] =	vst v6  }
0x1c4: {  	s13 =	smul.u32 $0x140, s13;
	s12 =	sadd.s32 s28, s12;
	[tilespmem:s14+$0x1D220] =	vst v2;
	v2 =	vmul.f32 v3, v4  }
0x1c5: {  	p1 =	sgt.u32 s12, $0x9C3;
	[tilespmem:s14+$0x1D240] =	vst v1  }
0x1c6: {  	s13 =	sadd.s32 s3, s13;
	s12 =	smul.u32 @!p1 $0x280, s12;
	[tilespmem:s14+$0x1D200] =	vst v2  }
0x1c7: {  	[hbm4b:s13+s7] =	stream.linear.scatter [tilespmem:s6], [sflag:$0x4], $0xA00, $0x38;
	[tilespmem:$0x1DC00] =	vst v63  }
.Ltmp11:
0x1c8: {  	s15 =	simm.s32 @!p1 $0x100;
	(pc) =	sbr.rel .LBB2_16-.Ltmp11, $4  }
0x1c9: {  	s16 =	simm.s32 @!p1 $0x1AA00;
	s14 =	simm.s32 @!p1 $0x80;
	s13 =	sadd.s32 @!p1 s2, s12  }
0x1ca: {  	[tilespmem:s16], [sflag:$0x2] =	stream.strided.gather @!p1 [hbm4b:s13+s14], $0xA00, s15, s14, $0x38;
	[tilespmem:$0x1DC00] =	vst v63  }
0x1cb: {  	s12 =	sadd.s32 @!p1 s12, s18;
	s13 =	simm.s32 @!p1 $0x1BE00  }
0x1cc: {  	[tilespmem:s13], [sflag:$0x2] =	stream.strided.gather @!p1 [hbm4b:s12+s14], $0xA00, s15, s14, $0x38;
	[tilespmem:$0x1DC00] =	vst v63  }
.LBB2_18:
0x1cd: {  	_ =	sfence.sel $0x180000  }
0x1ce: {  	[bflag:$0x0] =	sbarrier.arrive $0xFFFF  }
0x1cf: {  	_ =	strace $0x90000047  }
0x1d0: {  	s0 =	stileid.u32;
	[bflag:$0x2] =	sbarrier.arrive $0xFFFF  }
0x1d1: {  	p0 =	sne.s32 s0, $0x0;
	s0 =	rddreg [dreg:$0x5]  }
0x1d2: {  	s0 =	sadd.s32 @!p0 $0x100000, s0  }
0x1d3: {  	[sflag:s0] =	ssyncadd.tile.s32 @!p0 $0x1;
	_ =	shalt  }
.Lfunc_end2:
_tile_overlayer_lowered:
.L_overlay_start_2:
0x1d4: {  	(tag) =	ssettag $0x2  }
0x1d5: {  	s0 =	rddreg [dreg:$0x0];
	s2 =	stileid.u32  }
0x1d6: {  	s1 =	rddreg [dreg:$0x1];
	p0 =	sne.s32 s2, $0x0  }
0x1d7: {  	s3 =	rddreg [dreg:$0x2];
	[bflag:$0x3] =	sbarrier.arrive $0xFFFF;
	s2 =	simm.s32 @!p0 $0x1C05  }
0x1d8: {  	[timem:s3], [sflag:s2] =	dma.local @!p0 [hbm:s0], s1  }
0x1d9: {  	s0 =	simm.s32 @!p0 $0x5  }
0x1da: {  	_ =	swait.ge @!p0 [sflag:s0], s1  }
0x1db: {  	s1 =	ssub.s32 @!p0 $0x0, s1;
	[sflag:s0] =	ssyncset.done @!p0 $0x0  }
0x1dc: {  	[sflag:s0] =	ssyncadd.s32 @!p0 s1  }
0x1dd: {  	[bflag:$0x3] =	sbarrier.arrive $0xFFFF  }
0x1de: {  	_ =	shalt  }

</sc_bundles>
